<compile_context>
chip_gen: v7x
topology: tpu7x:2x2x1
jax: 0.10.2.dev20260603
libtpu: 0.0.44.dev20260713+nightly
codegen_flags: <defaults>
</compile_context>

<pallas_src>
import jax
import jax.numpy as jnp
from jax import lax
from jax.experimental import pallas as pl
from jax.experimental.pallas import tpu as pltpu
from jax.experimental.pallas import tpu_sc as plsc

_NC = 2
_NS = 16
_NW = _NC * _NS
_CHUNK = 128


def _sc_segsum(n, d, e):
    epw = e // _NW
    nch = epw // _CHUNK
    rpt = n // _NS
    mesh = plsc.VectorSubcoreMesh(core_axis_name="c", subcore_axis_name="s")

    def body(zeros_hbm, table_hbm, edges_hbm, out_hbm,
             idx_v, rows_v, acc_sh, sem_z, sem_i, sem_g, sem_s):
        cid = lax.axis_index("c")
        sid = lax.axis_index("s")
        wid = sid * _NC + cid
        cp_z = pltpu.async_copy(zeros_hbm.at[pl.ds(sid * rpt, rpt)],
                                acc_sh.at[pl.ds(sid * rpt, rpt)], sem_z)
        base = wid * epw
        cps_i = [pltpu.async_copy(
            edges_hbm.at[sd, pl.ds(base + c * _CHUNK, _CHUNK)],
            idx_v.at[sd, c], sem_i)
            for sd in range(2) for c in range(nch)]
        for cp in cps_i:
            cp.wait()
        cps_g = [pltpu.async_copy(table_hbm.at[idx_v.at[0, c]],
                                  rows_v.at[c], sem_g)
                 for c in range(nch)]
        cp_z.wait()
        plsc.subcore_barrier()
        cps_s = []
        for c in range(nch):
            cps_g[c].wait()
            cps_s.append(pltpu.async_copy(
                rows_v.at[c], acc_sh.at[idx_v.at[1, c]], sem_s, add=True))
        for cp in cps_s:
            cp.wait()
        plsc.subcore_barrier()
        pltpu.sync_copy(acc_sh.at[pl.ds(sid * rpt, rpt)],
                        out_hbm.at[cid, pl.ds(sid * rpt, rpt)])

    return pl.kernel(
        body,
        out_type=jax.ShapeDtypeStruct((_NC, n, d), jnp.float32),
        mesh=mesh,
        compiler_params=pltpu.CompilerParams(use_tc_tiling_on_sc=False),
        scratch_types=[
            pltpu.VMEM((2, nch, _CHUNK), jnp.int32),
            pltpu.VMEM((nch, _CHUNK, d), jnp.float32),
            pltpu.VMEM_SHARED((n, d), jnp.float32),
            pltpu.SemaphoreType.DMA,
            pltpu.SemaphoreType.DMA,
            pltpu.SemaphoreType.DMA,
            pltpu.SemaphoreType.DMA,
        ],
    )


def _tc_encode(n, in_dim, h0, h1):

    def body(a_ref, wp_ref, bp_ref, ws_ref, xw_ref, rdeg_ref):
        s = a_ref[0] + a_ref[1]
        deg = s[:, in_dim:in_dim + 1]
        rdeg = 1.0 / jnp.maximum(deg, 1.0)
        mean = s[:, :in_dim] * rdeg
        xp = jnp.maximum(
            jnp.dot(mean, wp_ref[...], preferred_element_type=jnp.float32)
            + bp_ref[...], 0.0)
        xw_ref[...] = jnp.dot(xp, ws_ref[...],
                              preferred_element_type=jnp.float32)
        rdeg_ref[...] = rdeg

    return pl.pallas_call(
        body,
        out_shape=(jax.ShapeDtypeStruct((n, h1), jnp.float32),
                   jax.ShapeDtypeStruct((n, 1), jnp.float32)),
    )


def _tc_decode4(n, h1, h2, h3, ti):
    q = ti // 4

    def body(agg_ref, rdeg_ref, bs_ref, wv_ref, bv_ref, wd1_ref, b1_ref,
             wd2_ref, bd2_ref, out_ref, u4_s, vt4_s, w1_s, w2_s):
        i = pl.program_id(0)

        @pl.when(i == 0)
        def _():
            s = agg_ref[0] + agg_ref[1]
            h = jnp.maximum(s * rdeg_ref[...] + bs_ref[...], 0.0)
            u = jnp.dot(h, wv_ref[:h1, :],
                        preferred_element_type=jnp.float32) + bv_ref[...]
            v = jnp.dot(h, wv_ref[h1:, :], preferred_element_type=jnp.float32)
            u4_s[...] = jnp.concatenate(
                [u[g * (n // 4):(g + 1) * (n // 4), :] for g in range(4)],
                axis=1).astype(jnp.bfloat16)
            vt4_s[...] = jnp.tile(v, (1, 4)).astype(jnp.bfloat16)
            z1 = jnp.zeros((h2, h3), jnp.float32)
            w1_s[...] = jnp.concatenate(
                [jnp.concatenate([wd1_ref[...] if gj == gi else z1
                                  for gj in range(4)], axis=1)
                 for gi in range(4)], axis=0).astype(jnp.bfloat16)
            z2c = jnp.zeros((h3, 1), jnp.float32)
            w2_s[...] = jnp.concatenate(
                [jnp.concatenate([wd2_ref[...] if gj == gi else z2c
                                  for gj in range(4)], axis=1)
                 for gi in range(4)], axis=0).astype(jnp.bfloat16)

        u4 = u4_s[pl.ds(i * q, q), :]
        z3 = jnp.maximum(u4[:, None, :] + vt4_s[...][None, :, :],
                         jnp.bfloat16(0.0))
        z2 = z3.reshape(q * n, 4 * h2)
        t = jnp.maximum(
            jnp.dot(z2, w1_s[...], preferred_element_type=jnp.float32)
            + jnp.tile(b1_ref[...], (1, 4)), 0.0).astype(jnp.bfloat16)
        lg = jnp.dot(t, w2_s[...], preferred_element_type=jnp.float32)
        lg3 = lg.reshape(q, n, 4)
        o3 = jnp.swapaxes(lg3, 1, 2)
        sig = jax.nn.sigmoid(o3 + bd2_ref[...])
        for g in range(4):
            out_ref[pl.ds(g * (n // 4) + i * q, q), :] = sig[:, g, :]

    full = lambda shape: pl.BlockSpec(shape, lambda i: (0,) * len(shape))
    return pl.pallas_call(
        body,
        grid=(n // ti,),
        in_specs=[
            full((_NC, n, h1)),
            full((n, 1)),
            full((1, h1)),
            full((2 * h1, h2)),
            full((1, h2)),
            full((h2, h3)),
            full((1, h3)),
            full((h3, 1)),
            full((1, 1)),
        ],
        out_specs=pl.BlockSpec((n, n), lambda i: (0, 0)),
        out_shape=jax.ShapeDtypeStruct((n, n), jnp.float32),
        scratch_shapes=[
            pltpu.VMEM((n // 4, 4 * h2), jnp.bfloat16),
            pltpu.VMEM((n, 4 * h2), jnp.bfloat16),
            pltpu.VMEM((4 * h2, 4 * h3), jnp.bfloat16),
            pltpu.VMEM((4 * h3, 4), jnp.bfloat16),
        ],
    )


def kernel(x, edge_index, Wp, bp, Ws, bs, Wv, bv, Wd1, bd1, Wd2, bd2):
    n, in_dim = x.shape
    e = edge_index.shape[1]
    h0 = Wp.shape[1]
    h1 = Ws.shape[1]
    h2 = Wv.shape[1]
    h3 = Wd1.shape[1]

    edges = edge_index.astype(jnp.int32)
    d1 = in_dim + 16
    x1 = jnp.concatenate(
        [x, jnp.ones((n, 1), x.dtype), jnp.zeros((n, 15), x.dtype)], axis=1)
    agg1 = _sc_segsum(n, d1, e)(jnp.zeros((n, d1), jnp.float32), x1, edges)
    xw, rdeg = _tc_encode(n, in_dim, h0, h1)(agg1, Wp, bp.reshape(1, -1), Ws)
    agg2 = _sc_segsum(n, h1, e)(jnp.zeros((n, h1), jnp.float32), xw, edges)
    return _tc_decode4(n, h1, h2, h3, ti=256)(
        agg2, rdeg, bs.reshape(1, -1), Wv, bv.reshape(1, -1),
        Wd1, bd1.reshape(1, -1), Wd2, bd2.reshape(1, 1))

# --- scband reference (transcript-rebuilt; emitter-appended) ---
"""Pipeline reference for scband-vgae-5394478924002 (READ-ONLY COPY).

The authoritative reference and input builder live on the scoring server;
editing this copy changes nothing except your own understanding.
"""

import jax, jax.numpy as jnp
import numpy as np

N = 512
E = 8192
IN_DIM = 128
HID = [128, 64, 32, 32, 1]


def _gcn_layer(x, src, dst, W, b, n):
    # mean-aggregation message passing (GCN-style) followed by linear + relu
    msgs = jnp.take(x, src, axis=0)
    agg = jax.ops.segment_sum(msgs, dst, num_segments=n)
    deg = jax.ops.segment_sum(jnp.ones((src.shape[0],), dtype=x.dtype), dst, num_segments=n)
    agg = agg / jnp.clip(deg, 1.0, None)[:, None]
    return jax.nn.relu(agg @ W + b)


def setup_inputs(seed: int = 0) -> dict:
    key = jax.random.key(seed)
    ks = [jax.random.fold_in(key, i) for i in range(16)]
    x = jax.random.normal(ks[0], (N, IN_DIM), dtype=jnp.float32)
    edge_index = jax.random.randint(ks[1], (2, E), 0, N, dtype=jnp.int64)

    def init_w(k, fan_in, fan_out):
        return jax.random.normal(k, (fan_in, fan_out), dtype=jnp.float32) * (1.0 / np.sqrt(fan_in))

    return {
        "x": x,
        "edge_index": edge_index,
        # private_encoder: GCN in_dim -> hidden[0]
        "Wp": init_w(ks[2], IN_DIM, HID[0]),
        "bp": jnp.zeros((HID[0],), dtype=jnp.float32),
        # shared_encoder: GCN hidden[0] -> hidden[1]
        "Ws": init_w(ks[3], HID[0], HID[1]),
        "bs": jnp.zeros((HID[1],), dtype=jnp.float32),
        # VI: linear on pairwise concat 2*hidden[1] -> hidden[2]
        "Wv": init_w(ks[4], 2 * HID[1], HID[2]),
        "bv": jnp.zeros((HID[2],), dtype=jnp.float32),
        # shared_decoder: hidden[2] -> hidden[3]
        "Wd1": init_w(ks[5], HID[2], HID[3]),
        "bd1": jnp.zeros((HID[3],), dtype=jnp.float32),
        # private_decoder: hidden[3] -> hidden[4]
        "Wd2": init_w(ks[6], HID[3], HID[4]),
        "bd2": jnp.zeros((HID[4],), dtype=jnp.float32),
    }


def reference(x, edge_index, Wp, bp, Ws, bs, Wv, bv, Wd1, bd1, Wd2, bd2):
    src = edge_index[0]
    dst = edge_index[1]
    n = x.shape[0]
    # private encoder (message passing)
    xp = _gcn_layer(x, src, dst, Wp, bp, n)
    # shared encoder (message passing)
    h = _gcn_layer(xp, src, dst, Ws, bs, n)
    # pairwise concat: hij[i, j] = concat(h[i], h[j])
    hj = jnp.broadcast_to(h[None, :, :], (n, n, h.shape[1]))
    hi = jnp.broadcast_to(h[:, None, :], (n, n, h.shape[1]))
    hij = jnp.concatenate((hi, hj), axis=2)
    # VI
    z = jax.nn.relu(hij @ Wv + bv)
    # shared decoder
    hdec = jax.nn.relu(z @ Wd1 + bd1)
    # private decoder -> reconstructed adjacency logits -> sigmoid
    A = jax.nn.sigmoid(hdec @ Wd2 + bd2)
    return A[..., 0]

if __name__ == "__main__":
    import jax
    _d = setup_inputs()
    print(jax.jit(kernel)(*tuple(_d.values())))

</pallas_src>

<mosaic_0001>
#map = affine_map<(d0, d1) -> (0, 0)>
#map1 = affine_map<(d0, d1) -> (0, 0, 0)>
module attributes {stable_mosaic.version = 14 : i64} {
  func.func @body(%arg0: i32, %arg1: i32, %arg2: memref<512x144xf32, #tpu.memory_space<hbm>>, %arg3: memref<512x144xf32, #tpu.memory_space<hbm>>, %arg4: memref<2x8192xi32, #tpu.memory_space<hbm>>, %arg5: memref<2x512x144xf32, #tpu.memory_space<hbm>>, %arg6: memref<2x2x128xi32, #tpu.memory_space<vmem>>, %arg7: memref<2x128x144xf32, #tpu.memory_space<vmem>>, %arg8: memref<512x144xf32, #tpu.memory_space<vmem_shared>>, %arg9: memref<!tpu.dma_semaphore, #tpu.memory_space<semaphore_mem>>, %arg10: memref<!tpu.dma_semaphore, #tpu.memory_space<semaphore_mem>>, %arg11: memref<!tpu.dma_semaphore, #tpu.memory_space<semaphore_mem>>, %arg12: memref<!tpu.dma_semaphore, #tpu.memory_space<semaphore_mem>>) attributes {dimension_semantics = [#tpu.dimension_semantics<core_parallel>, #tpu.dimension_semantics<subcore_parallel>], iteration_bounds = array<i64: 2, 16>, scalar_prefetch = 0 : i64, scratch_operands = 7 : i64, tpu.core_type = #tpu.core_type<sc_vector_subcore>, window_params = [{transform_indices = #map}, {transform_indices = #map}, {transform_indices = #map}, {transform_indices = #map1}]} {
    %mul3A = arith.constant 2 : i32
    %mul3A_0 = arith.muli %arg1, %mul3A : i32
    %add3A = arith.addi %mul3A_0, %arg0 : i32
    %mul3A_1 = arith.constant 32 : i32
    %mul3A_2 = arith.muli %arg1, %mul3A_1 : i32
    %mul3A_3 = arith.constant 32 : i32
    %mul3A_4 = arith.muli %arg1, %mul3A_3 : i32
    %dma_start3A = arith.constant 0 : i32
    %dma_start3A_5 = tpu.memref_slice %arg8[%mul3A_4, %dma_start3A] : memref<512x144xf32, #tpu.memory_space<vmem_shared>> -> memref<32x144xf32, #tpu.memory_space<vmem_shared>>
    %dma_start3A_6 = arith.constant 0 : i32
    %dma_start3A_7 = tpu.memref_slice %arg2[%mul3A_2, %dma_start3A_6] : memref<512x144xf32, #tpu.memory_space<hbm>> -> memref<32x144xf32, #tpu.memory_space<hbm>>
    tpu.enqueue_dma source(%dma_start3A_7 : memref<32x144xf32, #tpu.memory_space<hbm>>) target(%dma_start3A_5 : memref<32x144xf32, #tpu.memory_space<vmem_shared>>) target_semaphore(%arg9 : memref<!tpu.dma_semaphore, #tpu.memory_space<semaphore_mem>>)
    %mul3A_8 = arith.constant 256 : i32
    %mul3A_9 = arith.muli %add3A, %mul3A_8 : i32
    %add3A_10 = arith.constant 0 : i32
    %add3A_11 = arith.addi %mul3A_9, %add3A_10 : i32
    %dma_start3A_12 = arith.constant 0 : i32
    %dma_start3A_13 = arith.constant 0 : i32
    %dma_start3A_14 = arith.constant 0 : i32
    %dma_start3A_15 = arith.constant 0 : i32
    %dma_start3A_16 = tpu.memref_slice %arg6[%dma_start3A_13, %dma_start3A_14, %dma_start3A_15] : memref<2x2x128xi32, #tpu.memory_space<vmem>> -> memref<1x1x128xi32, #tpu.memory_space<vmem>>
    %dma_start3A_17 = tpu.memref_squeeze %dma_start3A_16 : memref<1x1x128xi32, #tpu.memory_space<vmem>> -> memref<128xi32, #tpu.memory_space<vmem>>
    %dma_start3A_18 = tpu.memref_slice %arg4[%dma_start3A_12, %add3A_11] : memref<2x8192xi32, #tpu.memory_space<hbm>> -> memref<1x128xi32, #tpu.memory_space<hbm>>
    %dma_start3A_19 = tpu.memref_squeeze %dma_start3A_18 : memref<1x128xi32, #tpu.memory_space<hbm>> -> memref<128xi32, #tpu.memory_space<hbm>>
    %dma_start3A_20 = arith.constant 0 : i32
    %dma_start3A_21 = tpu.memref_slice %arg6[%dma_start3A_13, %dma_start3A_14, %dma_start3A_20] : memref<2x2x128xi32, #tpu.memory_space<vmem>> -> memref<1x1x128xi32, #tpu.memory_space<vmem>>
    %dma_start3A_22 = tpu.memref_squeeze %dma_start3A_21 : memref<1x1x128xi32, #tpu.memory_space<vmem>> -> memref<128xi32, #tpu.memory_space<vmem>>
    %dma_start3A_23 = tpu.memref_slice %arg4[%dma_start3A_12, %add3A_11] : memref<2x8192xi32, #tpu.memory_space<hbm>> -> memref<1x128xi32, #tpu.memory_space<hbm>>
    %dma_start3A_24 = tpu.memref_squeeze %dma_start3A_23 : memref<1x128xi32, #tpu.memory_space<hbm>> -> memref<128xi32, #tpu.memory_space<hbm>>
    tpu.enqueue_dma source(%dma_start3A_24 : memref<128xi32, #tpu.memory_space<hbm>>) target(%dma_start3A_22 : memref<128xi32, #tpu.memory_space<vmem>>) target_semaphore(%arg10 : memref<!tpu.dma_semaphore, #tpu.memory_space<semaphore_mem>>)
    %add3A_25 = arith.constant 128 : i32
    %add3A_26 = arith.addi %mul3A_9, %add3A_25 : i32
    %dma_start3A_27 = arith.constant 0 : i32
    %dma_start3A_28 = arith.constant 0 : i32
    %dma_start3A_29 = arith.constant 1 : i32
    %dma_start3A_30 = arith.constant 0 : i32
    %dma_start3A_31 = tpu.memref_slice %arg6[%dma_start3A_28, %dma_start3A_29, %dma_start3A_30] : memref<2x2x128xi32, #tpu.memory_space<vmem>> -> memref<1x1x128xi32, #tpu.memory_space<vmem>>
    %dma_start3A_32 = tpu.memref_squeeze %dma_start3A_31 : memref<1x1x128xi32, #tpu.memory_space<vmem>> -> memref<128xi32, #tpu.memory_space<vmem>>
    %dma_start3A_33 = tpu.memref_slice %arg4[%dma_start3A_27, %add3A_26] : memref<2x8192xi32, #tpu.memory_space<hbm>> -> memref<1x128xi32, #tpu.memory_space<hbm>>
    %dma_start3A_34 = tpu.memref_squeeze %dma_start3A_33 : memref<1x128xi32, #tpu.memory_space<hbm>> -> memref<128xi32, #tpu.memory_space<hbm>>
    %dma_start3A_35 = arith.constant 0 : i32
    %dma_start3A_36 = tpu.memref_slice %arg6[%dma_start3A_28, %dma_start3A_29, %dma_start3A_35] : memref<2x2x128xi32, #tpu.memory_space<vmem>> -> memref<1x1x128xi32, #tpu.memory_space<vmem>>
    %dma_start3A_37 = tpu.memref_squeeze %dma_start3A_36 : memref<1x1x128xi32, #tpu.memory_space<vmem>> -> memref<128xi32, #tpu.memory_space<vmem>>
    %dma_start3A_38 = tpu.memref_slice %arg4[%dma_start3A_27, %add3A_26] : memref<2x8192xi32, #tpu.memory_space<hbm>> -> memref<1x128xi32, #tpu.memory_space<hbm>>
    %dma_start3A_39 = tpu.memref_squeeze %dma_start3A_38 : memref<1x128xi32, #tpu.memory_space<hbm>> -> memref<128xi32, #tpu.memory_space<hbm>>
    tpu.enqueue_dma source(%dma_start3A_39 : memref<128xi32, #tpu.memory_space<hbm>>) target(%dma_start3A_37 : memref<128xi32, #tpu.memory_space<vmem>>) target_semaphore(%arg10 : memref<!tpu.dma_semaphore, #tpu.memory_space<semaphore_mem>>)
    %add3A_40 = arith.constant 0 : i32
    %add3A_41 = arith.addi %mul3A_9, %add3A_40 : i32
    %dma_start3A_42 = arith.constant 1 : i32
    %dma_start3A_43 = arith.constant 1 : i32
    %dma_start3A_44 = arith.constant 0 : i32
    %dma_start3A_45 = arith.constant 0 : i32
    %dma_start3A_46 = tpu.memref_slice %arg6[%dma_start3A_43, %dma_start3A_44, %dma_start3A_45] : memref<2x2x128xi32, #tpu.memory_space<vmem>> -> memref<1x1x128xi32, #tpu.memory_space<vmem>>
    %dma_start3A_47 = tpu.memref_squeeze %dma_start3A_46 : memref<1x1x128xi32, #tpu.memory_space<vmem>> -> memref<128xi32, #tpu.memory_space<vmem>>
    %dma_start3A_48 = tpu.memref_slice %arg4[%dma_start3A_42, %add3A_41] : memref<2x8192xi32, #tpu.memory_space<hbm>> -> memref<1x128xi32, #tpu.memory_space<hbm>>
    %dma_start3A_49 = tpu.memref_squeeze %dma_start3A_48 : memref<1x128xi32, #tpu.memory_space<hbm>> -> memref<128xi32, #tpu.memory_space<hbm>>
    %dma_start3A_50 = arith.constant 0 : i32
    %dma_start3A_51 = tpu.memref_slice %arg6[%dma_start3A_43, %dma_start3A_44, %dma_start3A_50] : memref<2x2x128xi32, #tpu.memory_space<vmem>> -> memref<1x1x128xi32, #tpu.memory_space<vmem>>
    %dma_start3A_52 = tpu.memref_squeeze %dma_start3A_51 : memref<1x1x128xi32, #tpu.memory_space<vmem>> -> memref<128xi32, #tpu.memory_space<vmem>>
    %dma_start3A_53 = tpu.memref_slice %arg4[%dma_start3A_42, %add3A_41] : memref<2x8192xi32, #tpu.memory_space<hbm>> -> memref<1x128xi32, #tpu.memory_space<hbm>>
    %dma_start3A_54 = tpu.memref_squeeze %dma_start3A_53 : memref<1x128xi32, #tpu.memory_space<hbm>> -> memref<128xi32, #tpu.memory_space<hbm>>
    tpu.enqueue_dma source(%dma_start3A_54 : memref<128xi32, #tpu.memory_space<hbm>>) target(%dma_start3A_52 : memref<128xi32, #tpu.memory_space<vmem>>) target_semaphore(%arg10 : memref<!tpu.dma_semaphore, #tpu.memory_space<semaphore_mem>>)
    %add3A_55 = arith.constant 128 : i32
    %add3A_56 = arith.addi %mul3A_9, %add3A_55 : i32
    %dma_start3A_57 = arith.constant 1 : i32
    %dma_start3A_58 = arith.constant 1 : i32
    %dma_start3A_59 = arith.constant 1 : i32
    %dma_start3A_60 = arith.constant 0 : i32
    %dma_start3A_61 = tpu.memref_slice %arg6[%dma_start3A_58, %dma_start3A_59, %dma_start3A_60] : memref<2x2x128xi32, #tpu.memory_space<vmem>> -> memref<1x1x128xi32, #tpu.memory_space<vmem>>
    %dma_start3A_62 = tpu.memref_squeeze %dma_start3A_61 : memref<1x1x128xi32, #tpu.memory_space<vmem>> -> memref<128xi32, #tpu.memory_space<vmem>>
    %dma_start3A_63 = tpu.memref_slice %arg4[%dma_start3A_57, %add3A_56] : memref<2x8192xi32, #tpu.memory_space<hbm>> -> memref<1x128xi32, #tpu.memory_space<hbm>>
    %dma_start3A_64 = tpu.memref_squeeze %dma_start3A_63 : memref<1x128xi32, #tpu.memory_space<hbm>> -> memref<128xi32, #tpu.memory_space<hbm>>
    %dma_start3A_65 = arith.constant 0 : i32
    %dma_start3A_66 = tpu.memref_slice %arg6[%dma_start3A_58, %dma_start3A_59, %dma_start3A_65] : memref<2x2x128xi32, #tpu.memory_space<vmem>> -> memref<1x1x128xi32, #tpu.memory_space<vmem>>
    %dma_start3A_67 = tpu.memref_squeeze %dma_start3A_66 : memref<1x1x128xi32, #tpu.memory_space<vmem>> -> memref<128xi32, #tpu.memory_space<vmem>>
    %dma_start3A_68 = tpu.memref_slice %arg4[%dma_start3A_57, %add3A_56] : memref<2x8192xi32, #tpu.memory_space<hbm>> -> memref<1x128xi32, #tpu.memory_space<hbm>>
    %dma_start3A_69 = tpu.memref_squeeze %dma_start3A_68 : memref<1x128xi32, #tpu.memory_space<hbm>> -> memref<128xi32, #tpu.memory_space<hbm>>
    tpu.enqueue_dma source(%dma_start3A_69 : memref<128xi32, #tpu.memory_space<hbm>>) target(%dma_start3A_67 : memref<128xi32, #tpu.memory_space<vmem>>) target_semaphore(%arg10 : memref<!tpu.dma_semaphore, #tpu.memory_space<semaphore_mem>>)
    %dma_wait3A = arith.constant 0 : i32
    %dma_wait3A_70 = arith.constant 0 : i32
    %dma_wait3A_71 = arith.constant 0 : i32
    %dma_wait3A_72 = arith.constant 0 : i32
    %dma_wait3A_73 = tpu.memref_slice %arg6[%dma_wait3A_70, %dma_wait3A_71, %dma_wait3A_72] : memref<2x2x128xi32, #tpu.memory_space<vmem>> -> memref<1x1x128xi32, #tpu.memory_space<vmem>>
    %dma_wait3A_74 = tpu.memref_squeeze %dma_wait3A_73 : memref<1x1x128xi32, #tpu.memory_space<vmem>> -> memref<128xi32, #tpu.memory_space<vmem>>
    %dma_wait3A_75 = tpu.memref_slice %arg4[%dma_wait3A, %add3A_11] : memref<2x8192xi32, #tpu.memory_space<hbm>> -> memref<1x128xi32, #tpu.memory_space<hbm>>
    %dma_wait3A_76 = tpu.memref_squeeze %dma_wait3A_75 : memref<1x128xi32, #tpu.memory_space<hbm>> -> memref<128xi32, #tpu.memory_space<hbm>>
    %dma_wait3A_77 = arith.constant 0 : i32
    %dma_wait3A_78 = tpu.memref_slice %arg6[%dma_wait3A_70, %dma_wait3A_71, %dma_wait3A_77] : memref<2x2x128xi32, #tpu.memory_space<vmem>> -> memref<1x1x128xi32, #tpu.memory_space<vmem>>
    %dma_wait3A_79 = tpu.memref_squeeze %dma_wait3A_78 : memref<1x1x128xi32, #tpu.memory_space<vmem>> -> memref<128xi32, #tpu.memory_space<vmem>>
    %dma_wait3A_80 = tpu.memref_slice %arg4[%dma_wait3A, %add3A_11] : memref<2x8192xi32, #tpu.memory_space<hbm>> -> memref<1x128xi32, #tpu.memory_space<hbm>>
    %dma_wait3A_81 = tpu.memref_squeeze %dma_wait3A_80 : memref<1x128xi32, #tpu.memory_space<hbm>> -> memref<128xi32, #tpu.memory_space<hbm>>
    tpu.wait_dma2 semaphore(%arg10 : memref<!tpu.dma_semaphore, #tpu.memory_space<semaphore_mem>>) src(%dma_wait3A_81 : memref<128xi32, #tpu.memory_space<hbm>>) dst(%dma_wait3A_79 : memref<128xi32, #tpu.memory_space<vmem>>)
    %dma_wait3A_82 = arith.constant 0 : i32
    %dma_wait3A_83 = arith.constant 0 : i32
    %dma_wait3A_84 = arith.constant 1 : i32
    %dma_wait3A_85 = arith.constant 0 : i32
    %dma_wait3A_86 = tpu.memref_slice %arg6[%dma_wait3A_83, %dma_wait3A_84, %dma_wait3A_85] : memref<2x2x128xi32, #tpu.memory_space<vmem>> -> memref<1x1x128xi32, #tpu.memory_space<vmem>>
    %dma_wait3A_87 = tpu.memref_squeeze %dma_wait3A_86 : memref<1x1x128xi32, #tpu.memory_space<vmem>> -> memref<128xi32, #tpu.memory_space<vmem>>
    %dma_wait3A_88 = tpu.memref_slice %arg4[%dma_wait3A_82, %add3A_26] : memref<2x8192xi32, #tpu.memory_space<hbm>> -> memref<1x128xi32, #tpu.memory_space<hbm>>
    %dma_wait3A_89 = tpu.memref_squeeze %dma_wait3A_88 : memref<1x128xi32, #tpu.memory_space<hbm>> -> memref<128xi32, #tpu.memory_space<hbm>>
    %dma_wait3A_90 = arith.constant 0 : i32
    %dma_wait3A_91 = tpu.memref_slice %arg6[%dma_wait3A_83, %dma_wait3A_84, %dma_wait3A_90] : memref<2x2x128xi32, #tpu.memory_space<vmem>> -> memref<1x1x128xi32, #tpu.memory_space<vmem>>
    %dma_wait3A_92 = tpu.memref_squeeze %dma_wait3A_91 : memref<1x1x128xi32, #tpu.memory_space<vmem>> -> memref<128xi32, #tpu.memory_space<vmem>>
    %dma_wait3A_93 = tpu.memref_slice %arg4[%dma_wait3A_82, %add3A_26] : memref<2x8192xi32, #tpu.memory_space<hbm>> -> memref<1x128xi32, #tpu.memory_space<hbm>>
    %dma_wait3A_94 = tpu.memref_squeeze %dma_wait3A_93 : memref<1x128xi32, #tpu.memory_space<hbm>> -> memref<128xi32, #tpu.memory_space<hbm>>
    tpu.wait_dma2 semaphore(%arg10 : memref<!tpu.dma_semaphore, #tpu.memory_space<semaphore_mem>>) src(%dma_wait3A_94 : memref<128xi32, #tpu.memory_space<hbm>>) dst(%dma_wait3A_92 : memref<128xi32, #tpu.memory_space<vmem>>)
    %dma_wait3A_95 = arith.constant 1 : i32
    %dma_wait3A_96 = arith.constant 1 : i32
    %dma_wait3A_97 = arith.constant 0 : i32
    %dma_wait3A_98 = arith.constant 0 : i32
    %dma_wait3A_99 = tpu.memref_slice %arg6[%dma_wait3A_96, %dma_wait3A_97, %dma_wait3A_98] : memref<2x2x128xi32, #tpu.memory_space<vmem>> -> memref<1x1x128xi32, #tpu.memory_space<vmem>>
    %dma_wait3A_100 = tpu.memref_squeeze %dma_wait3A_99 : memref<1x1x128xi32, #tpu.memory_space<vmem>> -> memref<128xi32, #tpu.memory_space<vmem>>
    %dma_wait3A_101 = tpu.memref_slice %arg4[%dma_wait3A_95, %add3A_41] : memref<2x8192xi32, #tpu.memory_space<hbm>> -> memref<1x128xi32, #tpu.memory_space<hbm>>
    %dma_wait3A_102 = tpu.memref_squeeze %dma_wait3A_101 : memref<1x128xi32, #tpu.memory_space<hbm>> -> memref<128xi32, #tpu.memory_space<hbm>>
    %dma_wait3A_103 = arith.constant 0 : i32
    %dma_wait3A_104 = tpu.memref_slice %arg6[%dma_wait3A_96, %dma_wait3A_97, %dma_wait3A_103] : memref<2x2x128xi32, #tpu.memory_space<vmem>> -> memref<1x1x128xi32, #tpu.memory_space<vmem>>
    %dma_wait3A_105 = tpu.memref_squeeze %dma_wait3A_104 : memref<1x1x128xi32, #tpu.memory_space<vmem>> -> memref<128xi32, #tpu.memory_space<vmem>>
    %dma_wait3A_106 = tpu.memref_slice %arg4[%dma_wait3A_95, %add3A_41] : memref<2x8192xi32, #tpu.memory_space<hbm>> -> memref<1x128xi32, #tpu.memory_space<hbm>>
    %dma_wait3A_107 = tpu.memref_squeeze %dma_wait3A_106 : memref<1x128xi32, #tpu.memory_space<hbm>> -> memref<128xi32, #tpu.memory_space<hbm>>
    tpu.wait_dma2 semaphore(%arg10 : memref<!tpu.dma_semaphore, #tpu.memory_space<semaphore_mem>>) src(%dma_wait3A_107 : memref<128xi32, #tpu.memory_space<hbm>>) dst(%dma_wait3A_105 : memref<128xi32, #tpu.memory_space<vmem>>)
    %dma_wait3A_108 = arith.constant 1 : i32
    %dma_wait3A_109 = arith.constant 1 : i32
    %dma_wait3A_110 = arith.constant 1 : i32
    %dma_wait3A_111 = arith.constant 0 : i32
    %dma_wait3A_112 = tpu.memref_slice %arg6[%dma_wait3A_109, %dma_wait3A_110, %dma_wait3A_111] : memref<2x2x128xi32, #tpu.memory_space<vmem>> -> memref<1x1x128xi32, #tpu.memory_space<vmem>>
    %dma_wait3A_113 = tpu.memref_squeeze %dma_wait3A_112 : memref<1x1x128xi32, #tpu.memory_space<vmem>> -> memref<128xi32, #tpu.memory_space<vmem>>
    %dma_wait3A_114 = tpu.memref_slice %arg4[%dma_wait3A_108, %add3A_56] : memref<2x8192xi32, #tpu.memory_space<hbm>> -> memref<1x128xi32, #tpu.memory_space<hbm>>
    %dma_wait3A_115 = tpu.memref_squeeze %dma_wait3A_114 : memref<1x128xi32, #tpu.memory_space<hbm>> -> memref<128xi32, #tpu.memory_space<hbm>>
    %dma_wait3A_116 = arith.constant 0 : i32
    %dma_wait3A_117 = tpu.memref_slice %arg6[%dma_wait3A_109, %dma_wait3A_110, %dma_wait3A_116] : memref<2x2x128xi32, #tpu.memory_space<vmem>> -> memref<1x1x128xi32, #tpu.memory_space<vmem>>
    %dma_wait3A_118 = tpu.memref_squeeze %dma_wait3A_117 : memref<1x1x128xi32, #tpu.memory_space<vmem>> -> memref<128xi32, #tpu.memory_space<vmem>>
    %dma_wait3A_119 = tpu.memref_slice %arg4[%dma_wait3A_108, %add3A_56] : memref<2x8192xi32, #tpu.memory_space<hbm>> -> memref<1x128xi32, #tpu.memory_space<hbm>>
    %dma_wait3A_120 = tpu.memref_squeeze %dma_wait3A_119 : memref<1x128xi32, #tpu.memory_space<hbm>> -> memref<128xi32, #tpu.memory_space<hbm>>
    tpu.wait_dma2 semaphore(%arg10 : memref<!tpu.dma_semaphore, #tpu.memory_space<semaphore_mem>>) src(%dma_wait3A_120 : memref<128xi32, #tpu.memory_space<hbm>>) dst(%dma_wait3A_118 : memref<128xi32, #tpu.memory_space<vmem>>)
    %dma_start3A_121 = arith.constant 0 : i32
    %dma_start3A_122 = arith.constant 0 : i32
    %dma_start3A_123 = arith.constant 0 : i32
    %dma_start3A_124 = arith.constant 0 : i32
    %dma_start3A_125 = arith.constant 0 : i32
    %dma_start3A_126 = tpu.memref_slice %arg7[%dma_start3A_123, %dma_start3A_124, %dma_start3A_125] : memref<2x128x144xf32, #tpu.memory_space<vmem>> -> memref<1x128x144xf32, #tpu.memory_space<vmem>>
    %dma_start3A_127 = tpu.memref_squeeze %dma_start3A_126 : memref<1x128x144xf32, #tpu.memory_space<vmem>> -> memref<128x144xf32, #tpu.memory_space<vmem>>
    %dma_start3A_128 = arith.constant 0 : i32
    %dma_start3A_129 = tpu.memref_slice %arg6[%dma_start3A_121, %dma_start3A_122, %dma_start3A_128] : memref<2x2x128xi32, #tpu.memory_space<vmem>> -> memref<1x1x128xi32, #tpu.memory_space<vmem>>
    %dma_start3A_130 = tpu.memref_squeeze %dma_start3A_129 : memref<1x1x128xi32, #tpu.memory_space<vmem>> -> memref<128xi32, #tpu.memory_space<vmem>>
    %dma_start3A_131 = arith.constant 0 : i32
    %dma_start3A_132 = arith.constant 0 : i32
    %dma_start3A_133 = tpu.memref_slice %arg3[%dma_start3A_131, %dma_start3A_132] : memref<512x144xf32, #tpu.memory_space<hbm>> -> memref<512x144xf32, #tpu.memory_space<hbm>>
    tpu.enqueue_indirect_dma source(%dma_start3A_133 : memref<512x144xf32, #tpu.memory_space<hbm>>) target(%dma_start3A_127 : memref<128x144xf32, #tpu.memory_space<vmem>>) offsets(%dma_start3A_130 : memref<128xi32, #tpu.memory_space<vmem>>) semaphore(%arg11 : memref<!tpu.dma_semaphore, #tpu.memory_space<semaphore_mem>>)
    %dma_start3A_134 = arith.constant 0 : i32
    %dma_start3A_135 = arith.constant 1 : i32
    %dma_start3A_136 = arith.constant 1 : i32
    %dma_start3A_137 = arith.constant 0 : i32
    %dma_start3A_138 = arith.constant 0 : i32
    %dma_start3A_139 = tpu.memref_slice %arg7[%dma_start3A_136, %dma_start3A_137, %dma_start3A_138] : memref<2x128x144xf32, #tpu.memory_space<vmem>> -> memref<1x128x144xf32, #tpu.memory_space<vmem>>
    %dma_start3A_140 = tpu.memref_squeeze %dma_start3A_139 : memref<1x128x144xf32, #tpu.memory_space<vmem>> -> memref<128x144xf32, #tpu.memory_space<vmem>>
    %dma_start3A_141 = arith.constant 0 : i32
    %dma_start3A_142 = tpu.memref_slice %arg6[%dma_start3A_134, %dma_start3A_135, %dma_start3A_141] : memref<2x2x128xi32, #tpu.memory_space<vmem>> -> memref<1x1x128xi32, #tpu.memory_space<vmem>>
    %dma_start3A_143 = tpu.memref_squeeze %dma_start3A_142 : memref<1x1x128xi32, #tpu.memory_space<vmem>> -> memref<128xi32, #tpu.memory_space<vmem>>
    %dma_start3A_144 = arith.constant 0 : i32
    %dma_start3A_145 = arith.constant 0 : i32
    %dma_start3A_146 = tpu.memref_slice %arg3[%dma_start3A_144, %dma_start3A_145] : memref<512x144xf32, #tpu.memory_space<hbm>> -> memref<512x144xf32, #tpu.memory_space<hbm>>
    tpu.enqueue_indirect_dma source(%dma_start3A_146 : memref<512x144xf32, #tpu.memory_space<hbm>>) target(%dma_start3A_140 : memref<128x144xf32, #tpu.memory_space<vmem>>) offsets(%dma_start3A_143 : memref<128xi32, #tpu.memory_space<vmem>>) semaphore(%arg11 : memref<!tpu.dma_semaphore, #tpu.memory_space<semaphore_mem>>)
    %dma_wait3A_147 = arith.constant 0 : i32
    %dma_wait3A_148 = tpu.memref_slice %arg8[%mul3A_4, %dma_wait3A_147] : memref<512x144xf32, #tpu.memory_space<vmem_shared>> -> memref<32x144xf32, #tpu.memory_space<vmem_shared>>
    %dma_wait3A_149 = arith.constant 0 : i32
    %dma_wait3A_150 = tpu.memref_slice %arg2[%mul3A_2, %dma_wait3A_149] : memref<512x144xf32, #tpu.memory_space<hbm>> -> memref<32x144xf32, #tpu.memory_space<hbm>>
    tpu.wait_dma2 semaphore(%arg9 : memref<!tpu.dma_semaphore, #tpu.memory_space<semaphore_mem>>) src(%dma_wait3A_150 : memref<32x144xf32, #tpu.memory_space<hbm>>) dst(%dma_wait3A_148 : memref<32x144xf32, #tpu.memory_space<vmem_shared>>)
    %barrier3A = arith.constant 0 : index
    tpu.barrier barrier_id(%barrier3A)
    %dma_wait3A_151 = arith.constant 0 : i32
    %dma_wait3A_152 = arith.constant 0 : i32
    %dma_wait3A_153 = arith.constant 0 : i32
    %dma_wait3A_154 = arith.constant 0 : i32
    %dma_wait3A_155 = arith.constant 0 : i32
    %dma_wait3A_156 = tpu.memref_slice %arg7[%dma_wait3A_153, %dma_wait3A_154, %dma_wait3A_155] : memref<2x128x144xf32, #tpu.memory_space<vmem>> -> memref<1x128x144xf32, #tpu.memory_space<vmem>>
    %dma_wait3A_157 = tpu.memref_squeeze %dma_wait3A_156 : memref<1x128x144xf32, #tpu.memory_space<vmem>> -> memref<128x144xf32, #tpu.memory_space<vmem>>
    %dma_wait3A_158 = arith.constant 0 : i32
    %dma_wait3A_159 = tpu.memref_slice %arg6[%dma_wait3A_151, %dma_wait3A_152, %dma_wait3A_158] : memref<2x2x128xi32, #tpu.memory_space<vmem>> -> memref<1x1x128xi32, #tpu.memory_space<vmem>>
    %dma_wait3A_160 = tpu.memref_squeeze %dma_wait3A_159 : memref<1x1x128xi32, #tpu.memory_space<vmem>> -> memref<128xi32, #tpu.memory_space<vmem>>
    %dma_wait3A_161 = arith.constant 0 : i32
    %dma_wait3A_162 = arith.constant 0 : i32
    %dma_wait3A_163 = tpu.memref_slice %arg3[%dma_wait3A_161, %dma_wait3A_162] : memref<512x144xf32, #tpu.memory_space<hbm>> -> memref<512x144xf32, #tpu.memory_space<hbm>>
    tpu.wait_indirect_dma semaphore(%arg11 : memref<!tpu.dma_semaphore, #tpu.memory_space<semaphore_mem>>) src(%dma_wait3A_163 : memref<512x144xf32, #tpu.memory_space<hbm>>) dst(%dma_wait3A_157 : memref<128x144xf32, #tpu.memory_space<vmem>>)
    %dma_start3A_164 = arith.constant 0 : i32
    %dma_start3A_165 = arith.constant 1 : i32
    %dma_start3A_166 = arith.constant 0 : i32
    %dma_start3A_167 = arith.constant 0 : i32
    %dma_start3A_168 = arith.constant 0 : i32
    %dma_start3A_169 = tpu.memref_slice %arg7[%dma_start3A_164, %dma_start3A_167, %dma_start3A_168] : memref<2x128x144xf32, #tpu.memory_space<vmem>> -> memref<1x128x144xf32, #tpu.memory_space<vmem>>
    %dma_start3A_170 = tpu.memref_squeeze %dma_start3A_169 : memref<1x128x144xf32, #tpu.memory_space<vmem>> -> memref<128x144xf32, #tpu.memory_space<vmem>>
    %dma_start3A_171 = arith.constant 0 : i32
    %dma_start3A_172 = tpu.memref_slice %arg6[%dma_start3A_165, %dma_start3A_166, %dma_start3A_171] : memref<2x2x128xi32, #tpu.memory_space<vmem>> -> memref<1x1x128xi32, #tpu.memory_space<vmem>>
    %dma_start3A_173 = tpu.memref_squeeze %dma_start3A_172 : memref<1x1x128xi32, #tpu.memory_space<vmem>> -> memref<128xi32, #tpu.memory_space<vmem>>
    %dma_start3A_174 = arith.constant 0 : i32
    %dma_start3A_175 = arith.constant 0 : i32
    %dma_start3A_176 = tpu.memref_slice %arg8[%dma_start3A_174, %dma_start3A_175] : memref<512x144xf32, #tpu.memory_space<vmem_shared>> -> memref<512x144xf32, #tpu.memory_space<vmem_shared>>
    tpu.enqueue_indirect_dma source(%dma_start3A_170 : memref<128x144xf32, #tpu.memory_space<vmem>>) target(%dma_start3A_176 : memref<512x144xf32, #tpu.memory_space<vmem_shared>>) offsets(%dma_start3A_173 : memref<128xi32, #tpu.memory_space<vmem>>) semaphore(%arg12 : memref<!tpu.dma_semaphore, #tpu.memory_space<semaphore_mem>>) {add = true}
    %dma_wait3A_177 = arith.constant 0 : i32
    %dma_wait3A_178 = arith.constant 1 : i32
    %dma_wait3A_179 = arith.constant 1 : i32
    %dma_wait3A_180 = arith.constant 0 : i32
    %dma_wait3A_181 = arith.constant 0 : i32
    %dma_wait3A_182 = tpu.memref_slice %arg7[%dma_wait3A_179, %dma_wait3A_180, %dma_wait3A_181] : memref<2x128x144xf32, #tpu.memory_space<vmem>> -> memref<1x128x144xf32, #tpu.memory_space<vmem>>
    %dma_wait3A_183 = tpu.memref_squeeze %dma_wait3A_182 : memref<1x128x144xf32, #tpu.memory_space<vmem>> -> memref<128x144xf32, #tpu.memory_space<vmem>>
    %dma_wait3A_184 = arith.constant 0 : i32
    %dma_wait3A_185 = tpu.memref_slice %arg6[%dma_wait3A_177, %dma_wait3A_178, %dma_wait3A_184] : memref<2x2x128xi32, #tpu.memory_space<vmem>> -> memref<1x1x128xi32, #tpu.memory_space<vmem>>
    %dma_wait3A_186 = tpu.memref_squeeze %dma_wait3A_185 : memref<1x1x128xi32, #tpu.memory_space<vmem>> -> memref<128xi32, #tpu.memory_space<vmem>>
    %dma_wait3A_187 = arith.constant 0 : i32
    %dma_wait3A_188 = arith.constant 0 : i32
    %dma_wait3A_189 = tpu.memref_slice %arg3[%dma_wait3A_187, %dma_wait3A_188] : memref<512x144xf32, #tpu.memory_space<hbm>> -> memref<512x144xf32, #tpu.memory_space<hbm>>
    tpu.wait_indirect_dma semaphore(%arg11 : memref<!tpu.dma_semaphore, #tpu.memory_space<semaphore_mem>>) src(%dma_wait3A_189 : memref<512x144xf32, #tpu.memory_space<hbm>>) dst(%dma_wait3A_183 : memref<128x144xf32, #tpu.memory_space<vmem>>)
    %dma_start3A_190 = arith.constant 1 : i32
    %dma_start3A_191 = arith.constant 1 : i32
    %dma_start3A_192 = arith.constant 1 : i32
    %dma_start3A_193 = arith.constant 0 : i32
    %dma_start3A_194 = arith.constant 0 : i32
    %dma_start3A_195 = tpu.memref_slice %arg7[%dma_start3A_190, %dma_start3A_193, %dma_start3A_194] : memref<2x128x144xf32, #tpu.memory_space<vmem>> -> memref<1x128x144xf32, #tpu.memory_space<vmem>>
    %dma_start3A_196 = tpu.memref_squeeze %dma_start3A_195 : memref<1x128x144xf32, #tpu.memory_space<vmem>> -> memref<128x144xf32, #tpu.memory_space<vmem>>
    %dma_start3A_197 = arith.constant 0 : i32
    %dma_start3A_198 = tpu.memref_slice %arg6[%dma_start3A_191, %dma_start3A_192, %dma_start3A_197] : memref<2x2x128xi32, #tpu.memory_space<vmem>> -> memref<1x1x128xi32, #tpu.memory_space<vmem>>
    %dma_start3A_199 = tpu.memref_squeeze %dma_start3A_198 : memref<1x1x128xi32, #tpu.memory_space<vmem>> -> memref<128xi32, #tpu.memory_space<vmem>>
    %dma_start3A_200 = arith.constant 0 : i32
    %dma_start3A_201 = arith.constant 0 : i32
    %dma_start3A_202 = tpu.memref_slice %arg8[%dma_start3A_200, %dma_start3A_201] : memref<512x144xf32, #tpu.memory_space<vmem_shared>> -> memref<512x144xf32, #tpu.memory_space<vmem_shared>>
    tpu.enqueue_indirect_dma source(%dma_start3A_196 : memref<128x144xf32, #tpu.memory_space<vmem>>) target(%dma_start3A_202 : memref<512x144xf32, #tpu.memory_space<vmem_shared>>) offsets(%dma_start3A_199 : memref<128xi32, #tpu.memory_space<vmem>>) semaphore(%arg12 : memref<!tpu.dma_semaphore, #tpu.memory_space<semaphore_mem>>) {add = true}
    %dma_wait3A_203 = arith.constant 0 : i32
    %dma_wait3A_204 = arith.constant 1 : i32
    %dma_wait3A_205 = arith.constant 0 : i32
    %dma_wait3A_206 = arith.constant 0 : i32
    %dma_wait3A_207 = arith.constant 0 : i32
    %dma_wait3A_208 = tpu.memref_slice %arg7[%dma_wait3A_203, %dma_wait3A_206, %dma_wait3A_207] : memref<2x128x144xf32, #tpu.memory_space<vmem>> -> memref<1x128x144xf32, #tpu.memory_space<vmem>>
    %dma_wait3A_209 = tpu.memref_squeeze %dma_wait3A_208 : memref<1x128x144xf32, #tpu.memory_space<vmem>> -> memref<128x144xf32, #tpu.memory_space<vmem>>
    %dma_wait3A_210 = arith.constant 0 : i32
    %dma_wait3A_211 = tpu.memref_slice %arg6[%dma_wait3A_204, %dma_wait3A_205, %dma_wait3A_210] : memref<2x2x128xi32, #tpu.memory_space<vmem>> -> memref<1x1x128xi32, #tpu.memory_space<vmem>>
    %dma_wait3A_212 = tpu.memref_squeeze %dma_wait3A_211 : memref<1x1x128xi32, #tpu.memory_space<vmem>> -> memref<128xi32, #tpu.memory_space<vmem>>
    %dma_wait3A_213 = arith.constant 0 : i32
    %dma_wait3A_214 = arith.constant 0 : i32
    %dma_wait3A_215 = tpu.memref_slice %arg8[%dma_wait3A_213, %dma_wait3A_214] : memref<512x144xf32, #tpu.memory_space<vmem_shared>> -> memref<512x144xf32, #tpu.memory_space<vmem_shared>>
    tpu.wait_indirect_dma semaphore(%arg12 : memref<!tpu.dma_semaphore, #tpu.memory_space<semaphore_mem>>) src(%dma_wait3A_209 : memref<128x144xf32, #tpu.memory_space<vmem>>) dst(%dma_wait3A_215 : memref<512x144xf32, #tpu.memory_space<vmem_shared>>)
    %dma_wait3A_216 = arith.constant 1 : i32
    %dma_wait3A_217 = arith.constant 1 : i32
    %dma_wait3A_218 = arith.constant 1 : i32
    %dma_wait3A_219 = arith.constant 0 : i32
    %dma_wait3A_220 = arith.constant 0 : i32
    %dma_wait3A_221 = tpu.memref_slice %arg7[%dma_wait3A_216, %dma_wait3A_219, %dma_wait3A_220] : memref<2x128x144xf32, #tpu.memory_space<vmem>> -> memref<1x128x144xf32, #tpu.memory_space<vmem>>
    %dma_wait3A_222 = tpu.memref_squeeze %dma_wait3A_221 : memref<1x128x144xf32, #tpu.memory_space<vmem>> -> memref<128x144xf32, #tpu.memory_space<vmem>>
    %dma_wait3A_223 = arith.constant 0 : i32
    %dma_wait3A_224 = tpu.memref_slice %arg6[%dma_wait3A_217, %dma_wait3A_218, %dma_wait3A_223] : memref<2x2x128xi32, #tpu.memory_space<vmem>> -> memref<1x1x128xi32, #tpu.memory_space<vmem>>
    %dma_wait3A_225 = tpu.memref_squeeze %dma_wait3A_224 : memref<1x1x128xi32, #tpu.memory_space<vmem>> -> memref<128xi32, #tpu.memory_space<vmem>>
    %dma_wait3A_226 = arith.constant 0 : i32
    %dma_wait3A_227 = arith.constant 0 : i32
    %dma_wait3A_228 = tpu.memref_slice %arg8[%dma_wait3A_226, %dma_wait3A_227] : memref<512x144xf32, #tpu.memory_space<vmem_shared>> -> memref<512x144xf32, #tpu.memory_space<vmem_shared>>
    tpu.wait_indirect_dma semaphore(%arg12 : memref<!tpu.dma_semaphore, #tpu.memory_space<semaphore_mem>>) src(%dma_wait3A_222 : memref<128x144xf32, #tpu.memory_space<vmem>>) dst(%dma_wait3A_228 : memref<512x144xf32, #tpu.memory_space<vmem_shared>>)
    %barrier3A_229 = arith.constant 0 : index
    tpu.barrier barrier_id(%barrier3A_229)
    %mul3A_230 = arith.constant 32 : i32
    %mul3A_231 = arith.muli %arg1, %mul3A_230 : i32
    %mul3A_232 = arith.constant 32 : i32
    %mul3A_233 = arith.muli %arg1, %mul3A_232 : i32
    "tpu.region"() ({
      %run_scoped3A = tpu.sem_alloc : memref<!tpu.dma_semaphore, #tpu.memory_space<semaphore_mem>>
      %dma_start3A_234 = arith.constant 0 : i32
      %dma_start3A_235 = tpu.memref_slice %arg5[%arg0, %mul3A_233, %dma_start3A_234] : memref<2x512x144xf32, #tpu.memory_space<hbm>> -> memref<1x32x144xf32, #tpu.memory_space<hbm>>
      %dma_start3A_236 = tpu.memref_squeeze %dma_start3A_235 : memref<1x32x144xf32, #tpu.memory_space<hbm>> -> memref<32x144xf32, #tpu.memory_space<hbm>>
      %dma_start3A_237 = arith.constant 0 : i32
      %dma_start3A_238 = tpu.memref_slice %arg8[%mul3A_231, %dma_start3A_237] : memref<512x144xf32, #tpu.memory_space<vmem_shared>> -> memref<32x144xf32, #tpu.memory_space<vmem_shared>>
      tpu.enqueue_dma source(%dma_start3A_238 : memref<32x144xf32, #tpu.memory_space<vmem_shared>>) target(%dma_start3A_236 : memref<32x144xf32, #tpu.memory_space<hbm>>) target_semaphore(%run_scoped3A : memref<!tpu.dma_semaphore, #tpu.memory_space<semaphore_mem>>)
      %dma_wait3A_239 = arith.constant 0 : i32
      %dma_wait3A_240 = tpu.memref_slice %arg5[%arg0, %mul3A_233, %dma_wait3A_239] : memref<2x512x144xf32, #tpu.memory_space<hbm>> -> memref<1x32x144xf32, #tpu.memory_space<hbm>>
      %dma_wait3A_241 = tpu.memref_squeeze %dma_wait3A_240 : memref<1x32x144xf32, #tpu.memory_space<hbm>> -> memref<32x144xf32, #tpu.memory_space<hbm>>
      %dma_wait3A_242 = arith.constant 0 : i32
      %dma_wait3A_243 = tpu.memref_slice %arg8[%mul3A_231, %dma_wait3A_242] : memref<512x144xf32, #tpu.memory_space<vmem_shared>> -> memref<32x144xf32, #tpu.memory_space<vmem_shared>>
      tpu.wait_dma2 semaphore(%run_scoped3A : memref<!tpu.dma_semaphore, #tpu.memory_space<semaphore_mem>>) src(%dma_wait3A_243 : memref<32x144xf32, #tpu.memory_space<vmem_shared>>) dst(%dma_wait3A_241 : memref<32x144xf32, #tpu.memory_space<hbm>>)
      tpu.yield
    }) : () -> ()
    return
  }
}

#map = affine_map<(d0, d1) -> (0, 0)>
#map1 = affine_map<(d0, d1) -> (0, 0, 0)>
module attributes {stable_mosaic.version = 14 : i64} {
  func.func @body(%arg0: i32, %arg1: i32, %arg2: memref<512x64xf32, #tpu.memory_space<hbm>>, %arg3: memref<512x64xf32, #tpu.memory_space<hbm>>, %arg4: memref<2x8192xi32, #tpu.memory_space<hbm>>, %arg5: memref<2x512x64xf32, #tpu.memory_space<hbm>>, %arg6: memref<2x2x128xi32, #tpu.memory_space<vmem>>, %arg7: memref<2x128x64xf32, #tpu.memory_space<vmem>>, %arg8: memref<512x64xf32, #tpu.memory_space<vmem_shared>>, %arg9: memref<!tpu.dma_semaphore, #tpu.memory_space<semaphore_mem>>, %arg10: memref<!tpu.dma_semaphore, #tpu.memory_space<semaphore_mem>>, %arg11: memref<!tpu.dma_semaphore, #tpu.memory_space<semaphore_mem>>, %arg12: memref<!tpu.dma_semaphore, #tpu.memory_space<semaphore_mem>>) attributes {dimension_semantics = [#tpu.dimension_semantics<core_parallel>, #tpu.dimension_semantics<subcore_parallel>], iteration_bounds = array<i64: 2, 16>, scalar_prefetch = 0 : i64, scratch_operands = 7 : i64, tpu.core_type = #tpu.core_type<sc_vector_subcore>, window_params = [{transform_indices = #map}, {transform_indices = #map}, {transform_indices = #map}, {transform_indices = #map1}]} {
    %mul3A = arith.constant 2 : i32
    %mul3A_0 = arith.muli %arg1, %mul3A : i32
    %add3A = arith.addi %mul3A_0, %arg0 : i32
    %mul3A_1 = arith.constant 32 : i32
    %mul3A_2 = arith.muli %arg1, %mul3A_1 : i32
    %mul3A_3 = arith.constant 32 : i32
    %mul3A_4 = arith.muli %arg1, %mul3A_3 : i32
    %dma_start3A = arith.constant 0 : i32
    %dma_start3A_5 = tpu.memref_slice %arg8[%mul3A_4, %dma_start3A] : memref<512x64xf32, #tpu.memory_space<vmem_shared>> -> memref<32x64xf32, #tpu.memory_space<vmem_shared>>
    %dma_start3A_6 = arith.constant 0 : i32
    %dma_start3A_7 = tpu.memref_slice %arg2[%mul3A_2, %dma_start3A_6] : memref<512x64xf32, #tpu.memory_space<hbm>> -> memref<32x64xf32, #tpu.memory_space<hbm>>
    tpu.enqueue_dma source(%dma_start3A_7 : memref<32x64xf32, #tpu.memory_space<hbm>>) target(%dma_start3A_5 : memref<32x64xf32, #tpu.memory_space<vmem_shared>>) target_semaphore(%arg9 : memref<!tpu.dma_semaphore, #tpu.memory_space<semaphore_mem>>)
    %mul3A_8 = arith.constant 256 : i32
    %mul3A_9 = arith.muli %add3A, %mul3A_8 : i32
    %add3A_10 = arith.constant 0 : i32
    %add3A_11 = arith.addi %mul3A_9, %add3A_10 : i32
    %dma_start3A_12 = arith.constant 0 : i32
    %dma_start3A_13 = arith.constant 0 : i32
    %dma_start3A_14 = arith.constant 0 : i32
    %dma_start3A_15 = arith.constant 0 : i32
    %dma_start3A_16 = tpu.memref_slice %arg6[%dma_start3A_13, %dma_start3A_14, %dma_start3A_15] : memref<2x2x128xi32, #tpu.memory_space<vmem>> -> memref<1x1x128xi32, #tpu.memory_space<vmem>>
    %dma_start3A_17 = tpu.memref_squeeze %dma_start3A_16 : memref<1x1x128xi32, #tpu.memory_space<vmem>> -> memref<128xi32, #tpu.memory_space<vmem>>
    %dma_start3A_18 = tpu.memref_slice %arg4[%dma_start3A_12, %add3A_11] : memref<2x8192xi32, #tpu.memory_space<hbm>> -> memref<1x128xi32, #tpu.memory_space<hbm>>
    %dma_start3A_19 = tpu.memref_squeeze %dma_start3A_18 : memref<1x128xi32, #tpu.memory_space<hbm>> -> memref<128xi32, #tpu.memory_space<hbm>>
    %dma_start3A_20 = arith.constant 0 : i32
    %dma_start3A_21 = tpu.memref_slice %arg6[%dma_start3A_13, %dma_start3A_14, %dma_start3A_20] : memref<2x2x128xi32, #tpu.memory_space<vmem>> -> memref<1x1x128xi32, #tpu.memory_space<vmem>>
    %dma_start3A_22 = tpu.memref_squeeze %dma_start3A_21 : memref<1x1x128xi32, #tpu.memory_space<vmem>> -> memref<128xi32, #tpu.memory_space<vmem>>
    %dma_start3A_23 = tpu.memref_slice %arg4[%dma_start3A_12, %add3A_11] : memref<2x8192xi32, #tpu.memory_space<hbm>> -> memref<1x128xi32, #tpu.memory_space<hbm>>
    %dma_start3A_24 = tpu.memref_squeeze %dma_start3A_23 : memref<1x128xi32, #tpu.memory_space<hbm>> -> memref<128xi32, #tpu.memory_space<hbm>>
    tpu.enqueue_dma source(%dma_start3A_24 : memref<128xi32, #tpu.memory_space<hbm>>) target(%dma_start3A_22 : memref<128xi32, #tpu.memory_space<vmem>>) target_semaphore(%arg10 : memref<!tpu.dma_semaphore, #tpu.memory_space<semaphore_mem>>)
    %add3A_25 = arith.constant 128 : i32
    %add3A_26 = arith.addi %mul3A_9, %add3A_25 : i32
    %dma_start3A_27 = arith.constant 0 : i32
    %dma_start3A_28 = arith.constant 0 : i32
    %dma_start3A_29 = arith.constant 1 : i32
    %dma_start3A_30 = arith.constant 0 : i32
    %dma_start3A_31 = tpu.memref_slice %arg6[%dma_start3A_28, %dma_start3A_29, %dma_start3A_30] : memref<2x2x128xi32, #tpu.memory_space<vmem>> -> memref<1x1x128xi32, #tpu.memory_space<vmem>>
    %dma_start3A_32 = tpu.memref_squeeze %dma_start3A_31 : memref<1x1x128xi32, #tpu.memory_space<vmem>> -> memref<128xi32, #tpu.memory_space<vmem>>
    %dma_start3A_33 = tpu.memref_slice %arg4[%dma_start3A_27, %add3A_26] : memref<2x8192xi32, #tpu.memory_space<hbm>> -> memref<1x128xi32, #tpu.memory_space<hbm>>
    %dma_start3A_34 = tpu.memref_squeeze %dma_start3A_33 : memref<1x128xi32, #tpu.memory_space<hbm>> -> memref<128xi32, #tpu.memory_space<hbm>>
    %dma_start3A_35 = arith.constant 0 : i32
    %dma_start3A_36 = tpu.memref_slice %arg6[%dma_start3A_28, %dma_start3A_29, %dma_start3A_35] : memref<2x2x128xi32, #tpu.memory_space<vmem>> -> memref<1x1x128xi32, #tpu.memory_space<vmem>>
    %dma_start3A_37 = tpu.memref_squeeze %dma_start3A_36 : memref<1x1x128xi32, #tpu.memory_space<vmem>> -> memref<128xi32, #tpu.memory_space<vmem>>
    %dma_start3A_38 = tpu.memref_slice %arg4[%dma_start3A_27, %add3A_26] : memref<2x8192xi32, #tpu.memory_space<hbm>> -> memref<1x128xi32, #tpu.memory_space<hbm>>
    %dma_start3A_39 = tpu.memref_squeeze %dma_start3A_38 : memref<1x128xi32, #tpu.memory_space<hbm>> -> memref<128xi32, #tpu.memory_space<hbm>>
    tpu.enqueue_dma source(%dma_start3A_39 : memref<128xi32, #tpu.memory_space<hbm>>) target(%dma_start3A_37 : memref<128xi32, #tpu.memory_space<vmem>>) target_semaphore(%arg10 : memref<!tpu.dma_semaphore, #tpu.memory_space<semaphore_mem>>)
    %add3A_40 = arith.constant 0 : i32
    %add3A_41 = arith.addi %mul3A_9, %add3A_40 : i32
    %dma_start3A_42 = arith.constant 1 : i32
    %dma_start3A_43 = arith.constant 1 : i32
    %dma_start3A_44 = arith.constant 0 : i32
    %dma_start3A_45 = arith.constant 0 : i32
    %dma_start3A_46 = tpu.memref_slice %arg6[%dma_start3A_43, %dma_start3A_44, %dma_start3A_45] : memref<2x2x128xi32, #tpu.memory_space<vmem>> -> memref<1x1x128xi32, #tpu.memory_space<vmem>>
    %dma_start3A_47 = tpu.memref_squeeze %dma_start3A_46 : memref<1x1x128xi32, #tpu.memory_space<vmem>> -> memref<128xi32, #tpu.memory_space<vmem>>
    %dma_start3A_48 = tpu.memref_slice %arg4[%dma_start3A_42, %add3A_41] : memref<2x8192xi32, #tpu.memory_space<hbm>> -> memref<1x128xi32, #tpu.memory_space<hbm>>
    %dma_start3A_49 = tpu.memref_squeeze %dma_start3A_48 : memref<1x128xi32, #tpu.memory_space<hbm>> -> memref<128xi32, #tpu.memory_space<hbm>>
    %dma_start3A_50 = arith.constant 0 : i32
    %dma_start3A_51 = tpu.memref_slice %arg6[%dma_start3A_43, %dma_start3A_44, %dma_start3A_50] : memref<2x2x128xi32, #tpu.memory_space<vmem>> -> memref<1x1x128xi32, #tpu.memory_space<vmem>>
    %dma_start3A_52 = tpu.memref_squeeze %dma_start3A_51 : memref<1x1x128xi32, #tpu.memory_space<vmem>> -> memref<128xi32, #tpu.memory_space<vmem>>
    %dma_start3A_53 = tpu.memref_slice %arg4[%dma_start3A_42, %add3A_41] : memref<2x8192xi32, #tpu.memory_space<hbm>> -> memref<1x128xi32, #tpu.memory_space<hbm>>
    %dma_start3A_54 = tpu.memref_squeeze %dma_start3A_53 : memref<1x128xi32, #tpu.memory_space<hbm>> -> memref<128xi32, #tpu.memory_space<hbm>>
    tpu.enqueue_dma source(%dma_start3A_54 : memref<128xi32, #tpu.memory_space<hbm>>) target(%dma_start3A_52 : memref<128xi32, #tpu.memory_space<vmem>>) target_semaphore(%arg10 : memref<!tpu.dma_semaphore, #tpu.memory_space<semaphore_mem>>)
    %add3A_55 = arith.constant 128 : i32
    %add3A_56 = arith.addi %mul3A_9, %add3A_55 : i32
    %dma_start3A_57 = arith.constant 1 : i32
    %dma_start3A_58 = arith.constant 1 : i32
    %dma_start3A_59 = arith.constant 1 : i32
    %dma_start3A_60 = arith.constant 0 : i32
    %dma_start3A_61 = tpu.memref_slice %arg6[%dma_start3A_58, %dma_start3A_59, %dma_start3A_60] : memref<2x2x128xi32, #tpu.memory_space<vmem>> -> memref<1x1x128xi32, #tpu.memory_space<vmem>>
    %dma_start3A_62 = tpu.memref_squeeze %dma_start3A_61 : memref<1x1x128xi32, #tpu.memory_space<vmem>> -> memref<128xi32, #tpu.memory_space<vmem>>
    %dma_start3A_63 = tpu.memref_slice %arg4[%dma_start3A_57, %add3A_56] : memref<2x8192xi32, #tpu.memory_space<hbm>> -> memref<1x128xi32, #tpu.memory_space<hbm>>
    %dma_start3A_64 = tpu.memref_squeeze %dma_start3A_63 : memref<1x128xi32, #tpu.memory_space<hbm>> -> memref<128xi32, #tpu.memory_space<hbm>>
    %dma_start3A_65 = arith.constant 0 : i32
    %dma_start3A_66 = tpu.memref_slice %arg6[%dma_start3A_58, %dma_start3A_59, %dma_start3A_65] : memref<2x2x128xi32, #tpu.memory_space<vmem>> -> memref<1x1x128xi32, #tpu.memory_space<vmem>>
    %dma_start3A_67 = tpu.memref_squeeze %dma_start3A_66 : memref<1x1x128xi32, #tpu.memory_space<vmem>> -> memref<128xi32, #tpu.memory_space<vmem>>
    %dma_start3A_68 = tpu.memref_slice %arg4[%dma_start3A_57, %add3A_56] : memref<2x8192xi32, #tpu.memory_space<hbm>> -> memref<1x128xi32, #tpu.memory_space<hbm>>
    %dma_start3A_69 = tpu.memref_squeeze %dma_start3A_68 : memref<1x128xi32, #tpu.memory_space<hbm>> -> memref<128xi32, #tpu.memory_space<hbm>>
    tpu.enqueue_dma source(%dma_start3A_69 : memref<128xi32, #tpu.memory_space<hbm>>) target(%dma_start3A_67 : memref<128xi32, #tpu.memory_space<vmem>>) target_semaphore(%arg10 : memref<!tpu.dma_semaphore, #tpu.memory_space<semaphore_mem>>)
    %dma_wait3A = arith.constant 0 : i32
    %dma_wait3A_70 = arith.constant 0 : i32
    %dma_wait3A_71 = arith.constant 0 : i32
    %dma_wait3A_72 = arith.constant 0 : i32
    %dma_wait3A_73 = tpu.memref_slice %arg6[%dma_wait3A_70, %dma_wait3A_71, %dma_wait3A_72] : memref<2x2x128xi32, #tpu.memory_space<vmem>> -> memref<1x1x128xi32, #tpu.memory_space<vmem>>
    %dma_wait3A_74 = tpu.memref_squeeze %dma_wait3A_73 : memref<1x1x128xi32, #tpu.memory_space<vmem>> -> memref<128xi32, #tpu.memory_space<vmem>>
    %dma_wait3A_75 = tpu.memref_slice %arg4[%dma_wait3A, %add3A_11] : memref<2x8192xi32, #tpu.memory_space<hbm>> -> memref<1x128xi32, #tpu.memory_space<hbm>>
    %dma_wait3A_76 = tpu.memref_squeeze %dma_wait3A_75 : memref<1x128xi32, #tpu.memory_space<hbm>> -> memref<128xi32, #tpu.memory_space<hbm>>
    %dma_wait3A_77 = arith.constant 0 : i32
    %dma_wait3A_78 = tpu.memref_slice %arg6[%dma_wait3A_70, %dma_wait3A_71, %dma_wait3A_77] : memref<2x2x128xi32, #tpu.memory_space<vmem>> -> memref<1x1x128xi32, #tpu.memory_space<vmem>>
    %dma_wait3A_79 = tpu.memref_squeeze %dma_wait3A_78 : memref<1x1x128xi32, #tpu.memory_space<vmem>> -> memref<128xi32, #tpu.memory_space<vmem>>
    %dma_wait3A_80 = tpu.memref_slice %arg4[%dma_wait3A, %add3A_11] : memref<2x8192xi32, #tpu.memory_space<hbm>> -> memref<1x128xi32, #tpu.memory_space<hbm>>
    %dma_wait3A_81 = tpu.memref_squeeze %dma_wait3A_80 : memref<1x128xi32, #tpu.memory_space<hbm>> -> memref<128xi32, #tpu.memory_space<hbm>>
    tpu.wait_dma2 semaphore(%arg10 : memref<!tpu.dma_semaphore, #tpu.memory_space<semaphore_mem>>) src(%dma_wait3A_81 : memref<128xi32, #tpu.memory_space<hbm>>) dst(%dma_wait3A_79 : memref<128xi32, #tpu.memory_space<vmem>>)
    %dma_wait3A_82 = arith.constant 0 : i32
    %dma_wait3A_83 = arith.constant 0 : i32
    %dma_wait3A_84 = arith.constant 1 : i32
    %dma_wait3A_85 = arith.constant 0 : i32
    %dma_wait3A_86 = tpu.memref_slice %arg6[%dma_wait3A_83, %dma_wait3A_84, %dma_wait3A_85] : memref<2x2x128xi32, #tpu.memory_space<vmem>> -> memref<1x1x128xi32, #tpu.memory_space<vmem>>
    %dma_wait3A_87 = tpu.memref_squeeze %dma_wait3A_86 : memref<1x1x128xi32, #tpu.memory_space<vmem>> -> memref<128xi32, #tpu.memory_space<vmem>>
    %dma_wait3A_88 = tpu.memref_slice %arg4[%dma_wait3A_82, %add3A_26] : memref<2x8192xi32, #tpu.memory_space<hbm>> -> memref<1x128xi32, #tpu.memory_space<hbm>>
    %dma_wait3A_89 = tpu.memref_squeeze %dma_wait3A_88 : memref<1x128xi32, #tpu.memory_space<hbm>> -> memref<128xi32, #tpu.memory_space<hbm>>
    %dma_wait3A_90 = arith.constant 0 : i32
    %dma_wait3A_91 = tpu.memref_slice %arg6[%dma_wait3A_83, %dma_wait3A_84, %dma_wait3A_90] : memref<2x2x128xi32, #tpu.memory_space<vmem>> -> memref<1x1x128xi32, #tpu.memory_space<vmem>>
    %dma_wait3A_92 = tpu.memref_squeeze %dma_wait3A_91 : memref<1x1x128xi32, #tpu.memory_space<vmem>> -> memref<128xi32, #tpu.memory_space<vmem>>
    %dma_wait3A_93 = tpu.memref_slice %arg4[%dma_wait3A_82, %add3A_26] : memref<2x8192xi32, #tpu.memory_space<hbm>> -> memref<1x128xi32, #tpu.memory_space<hbm>>
    %dma_wait3A_94 = tpu.memref_squeeze %dma_wait3A_93 : memref<1x128xi32, #tpu.memory_space<hbm>> -> memref<128xi32, #tpu.memory_space<hbm>>
    tpu.wait_dma2 semaphore(%arg10 : memref<!tpu.dma_semaphore, #tpu.memory_space<semaphore_mem>>) src(%dma_wait3A_94 : memref<128xi32, #tpu.memory_space<hbm>>) dst(%dma_wait3A_92 : memref<128xi32, #tpu.memory_space<vmem>>)
    %dma_wait3A_95 = arith.constant 1 : i32
    %dma_wait3A_96 = arith.constant 1 : i32
    %dma_wait3A_97 = arith.constant 0 : i32
    %dma_wait3A_98 = arith.constant 0 : i32
    %dma_wait3A_99 = tpu.memref_slice %arg6[%dma_wait3A_96, %dma_wait3A_97, %dma_wait3A_98] : memref<2x2x128xi32, #tpu.memory_space<vmem>> -> memref<1x1x128xi32, #tpu.memory_space<vmem>>
    %dma_wait3A_100 = tpu.memref_squeeze %dma_wait3A_99 : memref<1x1x128xi32, #tpu.memory_space<vmem>> -> memref<128xi32, #tpu.memory_space<vmem>>
    %dma_wait3A_101 = tpu.memref_slice %arg4[%dma_wait3A_95, %add3A_41] : memref<2x8192xi32, #tpu.memory_space<hbm>> -> memref<1x128xi32, #tpu.memory_space<hbm>>
    %dma_wait3A_102 = tpu.memref_squeeze %dma_wait3A_101 : memref<1x128xi32, #tpu.memory_space<hbm>> -> memref<128xi32, #tpu.memory_space<hbm>>
    %dma_wait3A_103 = arith.constant 0 : i32
    %dma_wait3A_104 = tpu.memref_slice %arg6[%dma_wait3A_96, %dma_wait3A_97, %dma_wait3A_103] : memref<2x2x128xi32, #tpu.memory_space<vmem>> -> memref<1x1x128xi32, #tpu.memory_space<vmem>>
    %dma_wait3A_105 = tpu.memref_squeeze %dma_wait3A_104 : memref<1x1x128xi32, #tpu.memory_space<vmem>> -> memref<128xi32, #tpu.memory_space<vmem>>
    %dma_wait3A_106 = tpu.memref_slice %arg4[%dma_wait3A_95, %add3A_41] : memref<2x8192xi32, #tpu.memory_space<hbm>> -> memref<1x128xi32, #tpu.memory_space<hbm>>
    %dma_wait3A_107 = tpu.memref_squeeze %dma_wait3A_106 : memref<1x128xi32, #tpu.memory_space<hbm>> -> memref<128xi32, #tpu.memory_space<hbm>>
    tpu.wait_dma2 semaphore(%arg10 : memref<!tpu.dma_semaphore, #tpu.memory_space<semaphore_mem>>) src(%dma_wait3A_107 : memref<128xi32, #tpu.memory_space<hbm>>) dst(%dma_wait3A_105 : memref<128xi32, #tpu.memory_space<vmem>>)
    %dma_wait3A_108 = arith.constant 1 : i32
    %dma_wait3A_109 = arith.constant 1 : i32
    %dma_wait3A_110 = arith.constant 1 : i32
    %dma_wait3A_111 = arith.constant 0 : i32
    %dma_wait3A_112 = tpu.memref_slice %arg6[%dma_wait3A_109, %dma_wait3A_110, %dma_wait3A_111] : memref<2x2x128xi32, #tpu.memory_space<vmem>> -> memref<1x1x128xi32, #tpu.memory_space<vmem>>
    %dma_wait3A_113 = tpu.memref_squeeze %dma_wait3A_112 : memref<1x1x128xi32, #tpu.memory_space<vmem>> -> memref<128xi32, #tpu.memory_space<vmem>>
    %dma_wait3A_114 = tpu.memref_slice %arg4[%dma_wait3A_108, %add3A_56] : memref<2x8192xi32, #tpu.memory_space<hbm>> -> memref<1x128xi32, #tpu.memory_space<hbm>>
    %dma_wait3A_115 = tpu.memref_squeeze %dma_wait3A_114 : memref<1x128xi32, #tpu.memory_space<hbm>> -> memref<128xi32, #tpu.memory_space<hbm>>
    %dma_wait3A_116 = arith.constant 0 : i32
    %dma_wait3A_117 = tpu.memref_slice %arg6[%dma_wait3A_109, %dma_wait3A_110, %dma_wait3A_116] : memref<2x2x128xi32, #tpu.memory_space<vmem>> -> memref<1x1x128xi32, #tpu.memory_space<vmem>>
    %dma_wait3A_118 = tpu.memref_squeeze %dma_wait3A_117 : memref<1x1x128xi32, #tpu.memory_space<vmem>> -> memref<128xi32, #tpu.memory_space<vmem>>
    %dma_wait3A_119 = tpu.memref_slice %arg4[%dma_wait3A_108, %add3A_56] : memref<2x8192xi32, #tpu.memory_space<hbm>> -> memref<1x128xi32, #tpu.memory_space<hbm>>
    %dma_wait3A_120 = tpu.memref_squeeze %dma_wait3A_119 : memref<1x128xi32, #tpu.memory_space<hbm>> -> memref<128xi32, #tpu.memory_space<hbm>>
    tpu.wait_dma2 semaphore(%arg10 : memref<!tpu.dma_semaphore, #tpu.memory_space<semaphore_mem>>) src(%dma_wait3A_120 : memref<128xi32, #tpu.memory_space<hbm>>) dst(%dma_wait3A_118 : memref<128xi32, #tpu.memory_space<vmem>>)
    %dma_start3A_121 = arith.constant 0 : i32
    %dma_start3A_122 = arith.constant 0 : i32
    %dma_start3A_123 = arith.constant 0 : i32
    %dma_start3A_124 = arith.constant 0 : i32
    %dma_start3A_125 = arith.constant 0 : i32
    %dma_start3A_126 = tpu.memref_slice %arg7[%dma_start3A_123, %dma_start3A_124, %dma_start3A_125] : memref<2x128x64xf32, #tpu.memory_space<vmem>> -> memref<1x128x64xf32, #tpu.memory_space<vmem>>
    %dma_start3A_127 = tpu.memref_squeeze %dma_start3A_126 : memref<1x128x64xf32, #tpu.memory_space<vmem>> -> memref<128x64xf32, #tpu.memory_space<vmem>>
    %dma_start3A_128 = arith.constant 0 : i32
    %dma_start3A_129 = tpu.memref_slice %arg6[%dma_start3A_121, %dma_start3A_122, %dma_start3A_128] : memref<2x2x128xi32, #tpu.memory_space<vmem>> -> memref<1x1x128xi32, #tpu.memory_space<vmem>>
    %dma_start3A_130 = tpu.memref_squeeze %dma_start3A_129 : memref<1x1x128xi32, #tpu.memory_space<vmem>> -> memref<128xi32, #tpu.memory_space<vmem>>
    %dma_start3A_131 = arith.constant 0 : i32
    %dma_start3A_132 = arith.constant 0 : i32
    %dma_start3A_133 = tpu.memref_slice %arg3[%dma_start3A_131, %dma_start3A_132] : memref<512x64xf32, #tpu.memory_space<hbm>> -> memref<512x64xf32, #tpu.memory_space<hbm>>
    tpu.enqueue_indirect_dma source(%dma_start3A_133 : memref<512x64xf32, #tpu.memory_space<hbm>>) target(%dma_start3A_127 : memref<128x64xf32, #tpu.memory_space<vmem>>) offsets(%dma_start3A_130 : memref<128xi32, #tpu.memory_space<vmem>>) semaphore(%arg11 : memref<!tpu.dma_semaphore, #tpu.memory_space<semaphore_mem>>)
    %dma_start3A_134 = arith.constant 0 : i32
    %dma_start3A_135 = arith.constant 1 : i32
    %dma_start3A_136 = arith.constant 1 : i32
    %dma_start3A_137 = arith.constant 0 : i32
    %dma_start3A_138 = arith.constant 0 : i32
    %dma_start3A_139 = tpu.memref_slice %arg7[%dma_start3A_136, %dma_start3A_137, %dma_start3A_138] : memref<2x128x64xf32, #tpu.memory_space<vmem>> -> memref<1x128x64xf32, #tpu.memory_space<vmem>>
    %dma_start3A_140 = tpu.memref_squeeze %dma_start3A_139 : memref<1x128x64xf32, #tpu.memory_space<vmem>> -> memref<128x64xf32, #tpu.memory_space<vmem>>
    %dma_start3A_141 = arith.constant 0 : i32
    %dma_start3A_142 = tpu.memref_slice %arg6[%dma_start3A_134, %dma_start3A_135, %dma_start3A_141] : memref<2x2x128xi32, #tpu.memory_space<vmem>> -> memref<1x1x128xi32, #tpu.memory_space<vmem>>
    %dma_start3A_143 = tpu.memref_squeeze %dma_start3A_142 : memref<1x1x128xi32, #tpu.memory_space<vmem>> -> memref<128xi32, #tpu.memory_space<vmem>>
    %dma_start3A_144 = arith.constant 0 : i32
    %dma_start3A_145 = arith.constant 0 : i32
    %dma_start3A_146 = tpu.memref_slice %arg3[%dma_start3A_144, %dma_start3A_145] : memref<512x64xf32, #tpu.memory_space<hbm>> -> memref<512x64xf32, #tpu.memory_space<hbm>>
    tpu.enqueue_indirect_dma source(%dma_start3A_146 : memref<512x64xf32, #tpu.memory_space<hbm>>) target(%dma_start3A_140 : memref<128x64xf32, #tpu.memory_space<vmem>>) offsets(%dma_start3A_143 : memref<128xi32, #tpu.memory_space<vmem>>) semaphore(%arg11 : memref<!tpu.dma_semaphore, #tpu.memory_space<semaphore_mem>>)
    %dma_wait3A_147 = arith.constant 0 : i32
    %dma_wait3A_148 = tpu.memref_slice %arg8[%mul3A_4, %dma_wait3A_147] : memref<512x64xf32, #tpu.memory_space<vmem_shared>> -> memref<32x64xf32, #tpu.memory_space<vmem_shared>>
    %dma_wait3A_149 = arith.constant 0 : i32
    %dma_wait3A_150 = tpu.memref_slice %arg2[%mul3A_2, %dma_wait3A_149] : memref<512x64xf32, #tpu.memory_space<hbm>> -> memref<32x64xf32, #tpu.memory_space<hbm>>
    tpu.wait_dma2 semaphore(%arg9 : memref<!tpu.dma_semaphore, #tpu.memory_space<semaphore_mem>>) src(%dma_wait3A_150 : memref<32x64xf32, #tpu.memory_space<hbm>>) dst(%dma_wait3A_148 : memref<32x64xf32, #tpu.memory_space<vmem_shared>>)
    %barrier3A = arith.constant 0 : index
    tpu.barrier barrier_id(%barrier3A)
    %dma_wait3A_151 = arith.constant 0 : i32
    %dma_wait3A_152 = arith.constant 0 : i32
    %dma_wait3A_153 = arith.constant 0 : i32
    %dma_wait3A_154 = arith.constant 0 : i32
    %dma_wait3A_155 = arith.constant 0 : i32
    %dma_wait3A_156 = tpu.memref_slice %arg7[%dma_wait3A_153, %dma_wait3A_154, %dma_wait3A_155] : memref<2x128x64xf32, #tpu.memory_space<vmem>> -> memref<1x128x64xf32, #tpu.memory_space<vmem>>
    %dma_wait3A_157 = tpu.memref_squeeze %dma_wait3A_156 : memref<1x128x64xf32, #tpu.memory_space<vmem>> -> memref<128x64xf32, #tpu.memory_space<vmem>>
    %dma_wait3A_158 = arith.constant 0 : i32
    %dma_wait3A_159 = tpu.memref_slice %arg6[%dma_wait3A_151, %dma_wait3A_152, %dma_wait3A_158] : memref<2x2x128xi32, #tpu.memory_space<vmem>> -> memref<1x1x128xi32, #tpu.memory_space<vmem>>
    %dma_wait3A_160 = tpu.memref_squeeze %dma_wait3A_159 : memref<1x1x128xi32, #tpu.memory_space<vmem>> -> memref<128xi32, #tpu.memory_space<vmem>>
    %dma_wait3A_161 = arith.constant 0 : i32
    %dma_wait3A_162 = arith.constant 0 : i32
    %dma_wait3A_163 = tpu.memref_slice %arg3[%dma_wait3A_161, %dma_wait3A_162] : memref<512x64xf32, #tpu.memory_space<hbm>> -> memref<512x64xf32, #tpu.memory_space<hbm>>
    tpu.wait_indirect_dma semaphore(%arg11 : memref<!tpu.dma_semaphore, #tpu.memory_space<semaphore_mem>>) src(%dma_wait3A_163 : memref<512x64xf32, #tpu.memory_space<hbm>>) dst(%dma_wait3A_157 : memref<128x64xf32, #tpu.memory_space<vmem>>)
    %dma_start3A_164 = arith.constant 0 : i32
    %dma_start3A_165 = arith.constant 1 : i32
    %dma_start3A_166 = arith.constant 0 : i32
    %dma_start3A_167 = arith.constant 0 : i32
    %dma_start3A_168 = arith.constant 0 : i32
    %dma_start3A_169 = tpu.memref_slice %arg7[%dma_start3A_164, %dma_start3A_167, %dma_start3A_168] : memref<2x128x64xf32, #tpu.memory_space<vmem>> -> memref<1x128x64xf32, #tpu.memory_space<vmem>>
    %dma_start3A_170 = tpu.memref_squeeze %dma_start3A_169 : memref<1x128x64xf32, #tpu.memory_space<vmem>> -> memref<128x64xf32, #tpu.memory_space<vmem>>
    %dma_start3A_171 = arith.constant 0 : i32
    %dma_start3A_172 = tpu.memref_slice %arg6[%dma_start3A_165, %dma_start3A_166, %dma_start3A_171] : memref<2x2x128xi32, #tpu.memory_space<vmem>> -> memref<1x1x128xi32, #tpu.memory_space<vmem>>
    %dma_start3A_173 = tpu.memref_squeeze %dma_start3A_172 : memref<1x1x128xi32, #tpu.memory_space<vmem>> -> memref<128xi32, #tpu.memory_space<vmem>>
    %dma_start3A_174 = arith.constant 0 : i32
    %dma_start3A_175 = arith.constant 0 : i32
    %dma_start3A_176 = tpu.memref_slice %arg8[%dma_start3A_174, %dma_start3A_175] : memref<512x64xf32, #tpu.memory_space<vmem_shared>> -> memref<512x64xf32, #tpu.memory_space<vmem_shared>>
    tpu.enqueue_indirect_dma source(%dma_start3A_170 : memref<128x64xf32, #tpu.memory_space<vmem>>) target(%dma_start3A_176 : memref<512x64xf32, #tpu.memory_space<vmem_shared>>) offsets(%dma_start3A_173 : memref<128xi32, #tpu.memory_space<vmem>>) semaphore(%arg12 : memref<!tpu.dma_semaphore, #tpu.memory_space<semaphore_mem>>) {add = true}
    %dma_wait3A_177 = arith.constant 0 : i32
    %dma_wait3A_178 = arith.constant 1 : i32
    %dma_wait3A_179 = arith.constant 1 : i32
    %dma_wait3A_180 = arith.constant 0 : i32
    %dma_wait3A_181 = arith.constant 0 : i32
    %dma_wait3A_182 = tpu.memref_slice %arg7[%dma_wait3A_179, %dma_wait3A_180, %dma_wait3A_181] : memref<2x128x64xf32, #tpu.memory_space<vmem>> -> memref<1x128x64xf32, #tpu.memory_space<vmem>>
    %dma_wait3A_183 = tpu.memref_squeeze %dma_wait3A_182 : memref<1x128x64xf32, #tpu.memory_space<vmem>> -> memref<128x64xf32, #tpu.memory_space<vmem>>
    %dma_wait3A_184 = arith.constant 0 : i32
    %dma_wait3A_185 = tpu.memref_slice %arg6[%dma_wait3A_177, %dma_wait3A_178, %dma_wait3A_184] : memref<2x2x128xi32, #tpu.memory_space<vmem>> -> memref<1x1x128xi32, #tpu.memory_space<vmem>>
    %dma_wait3A_186 = tpu.memref_squeeze %dma_wait3A_185 : memref<1x1x128xi32, #tpu.memory_space<vmem>> -> memref<128xi32, #tpu.memory_space<vmem>>
    %dma_wait3A_187 = arith.constant 0 : i32
    %dma_wait3A_188 = arith.constant 0 : i32
    %dma_wait3A_189 = tpu.memref_slice %arg3[%dma_wait3A_187, %dma_wait3A_188] : memref<512x64xf32, #tpu.memory_space<hbm>> -> memref<512x64xf32, #tpu.memory_space<hbm>>
    tpu.wait_indirect_dma semaphore(%arg11 : memref<!tpu.dma_semaphore, #tpu.memory_space<semaphore_mem>>) src(%dma_wait3A_189 : memref<512x64xf32, #tpu.memory_space<hbm>>) dst(%dma_wait3A_183 : memref<128x64xf32, #tpu.memory_space<vmem>>)
    %dma_start3A_190 = arith.constant 1 : i32
    %dma_start3A_191 = arith.constant 1 : i32
    %dma_start3A_192 = arith.constant 1 : i32
    %dma_start3A_193 = arith.constant 0 : i32
    %dma_start3A_194 = arith.constant 0 : i32
    %dma_start3A_195 = tpu.memref_slice %arg7[%dma_start3A_190, %dma_start3A_193, %dma_start3A_194] : memref<2x128x64xf32, #tpu.memory_space<vmem>> -> memref<1x128x64xf32, #tpu.memory_space<vmem>>
    %dma_start3A_196 = tpu.memref_squeeze %dma_start3A_195 : memref<1x128x64xf32, #tpu.memory_space<vmem>> -> memref<128x64xf32, #tpu.memory_space<vmem>>
    %dma_start3A_197 = arith.constant 0 : i32
    %dma_start3A_198 = tpu.memref_slice %arg6[%dma_start3A_191, %dma_start3A_192, %dma_start3A_197] : memref<2x2x128xi32, #tpu.memory_space<vmem>> -> memref<1x1x128xi32, #tpu.memory_space<vmem>>
    %dma_start3A_199 = tpu.memref_squeeze %dma_start3A_198 : memref<1x1x128xi32, #tpu.memory_space<vmem>> -> memref<128xi32, #tpu.memory_space<vmem>>
    %dma_start3A_200 = arith.constant 0 : i32
    %dma_start3A_201 = arith.constant 0 : i32
    %dma_start3A_202 = tpu.memref_slice %arg8[%dma_start3A_200, %dma_start3A_201] : memref<512x64xf32, #tpu.memory_space<vmem_shared>> -> memref<512x64xf32, #tpu.memory_space<vmem_shared>>
    tpu.enqueue_indirect_dma source(%dma_start3A_196 : memref<128x64xf32, #tpu.memory_space<vmem>>) target(%dma_start3A_202 : memref<512x64xf32, #tpu.memory_space<vmem_shared>>) offsets(%dma_start3A_199 : memref<128xi32, #tpu.memory_space<vmem>>) semaphore(%arg12 : memref<!tpu.dma_semaphore, #tpu.memory_space<semaphore_mem>>) {add = true}
    %dma_wait3A_203 = arith.constant 0 : i32
    %dma_wait3A_204 = arith.constant 1 : i32
    %dma_wait3A_205 = arith.constant 0 : i32
    %dma_wait3A_206 = arith.constant 0 : i32
    %dma_wait3A_207 = arith.constant 0 : i32
    %dma_wait3A_208 = tpu.memref_slice %arg7[%dma_wait3A_203, %dma_wait3A_206, %dma_wait3A_207] : memref<2x128x64xf32, #tpu.memory_space<vmem>> -> memref<1x128x64xf32, #tpu.memory_space<vmem>>
    %dma_wait3A_209 = tpu.memref_squeeze %dma_wait3A_208 : memref<1x128x64xf32, #tpu.memory_space<vmem>> -> memref<128x64xf32, #tpu.memory_space<vmem>>
    %dma_wait3A_210 = arith.constant 0 : i32
    %dma_wait3A_211 = tpu.memref_slice %arg6[%dma_wait3A_204, %dma_wait3A_205, %dma_wait3A_210] : memref<2x2x128xi32, #tpu.memory_space<vmem>> -> memref<1x1x128xi32, #tpu.memory_space<vmem>>
    %dma_wait3A_212 = tpu.memref_squeeze %dma_wait3A_211 : memref<1x1x128xi32, #tpu.memory_space<vmem>> -> memref<128xi32, #tpu.memory_space<vmem>>
    %dma_wait3A_213 = arith.constant 0 : i32
    %dma_wait3A_214 = arith.constant 0 : i32
    %dma_wait3A_215 = tpu.memref_slice %arg8[%dma_wait3A_213, %dma_wait3A_214] : memref<512x64xf32, #tpu.memory_space<vmem_shared>> -> memref<512x64xf32, #tpu.memory_space<vmem_shared>>
    tpu.wait_indirect_dma semaphore(%arg12 : memref<!tpu.dma_semaphore, #tpu.memory_space<semaphore_mem>>) src(%dma_wait3A_209 : memref<128x64xf32, #tpu.memory_space<vmem>>) dst(%dma_wait3A_215 : memref<512x64xf32, #tpu.memory_space<vmem_shared>>)
    %dma_wait3A_216 = arith.constant 1 : i32
    %dma_wait3A_217 = arith.constant 1 : i32
    %dma_wait3A_218 = arith.constant 1 : i32
    %dma_wait3A_219 = arith.constant 0 : i32
    %dma_wait3A_220 = arith.constant 0 : i32
    %dma_wait3A_221 = tpu.memref_slice %arg7[%dma_wait3A_216, %dma_wait3A_219, %dma_wait3A_220] : memref<2x128x64xf32, #tpu.memory_space<vmem>> -> memref<1x128x64xf32, #tpu.memory_space<vmem>>
    %dma_wait3A_222 = tpu.memref_squeeze %dma_wait3A_221 : memref<1x128x64xf32, #tpu.memory_space<vmem>> -> memref<128x64xf32, #tpu.memory_space<vmem>>
    %dma_wait3A_223 = arith.constant 0 : i32
    %dma_wait3A_224 = tpu.memref_slice %arg6[%dma_wait3A_217, %dma_wait3A_218, %dma_wait3A_223] : memref<2x2x128xi32, #tpu.memory_space<vmem>> -> memref<1x1x128xi32, #tpu.memory_space<vmem>>
    %dma_wait3A_225 = tpu.memref_squeeze %dma_wait3A_224 : memref<1x1x128xi32, #tpu.memory_space<vmem>> -> memref<128xi32, #tpu.memory_space<vmem>>
    %dma_wait3A_226 = arith.constant 0 : i32
    %dma_wait3A_227 = arith.constant 0 : i32
    %dma_wait3A_228 = tpu.memref_slice %arg8[%dma_wait3A_226, %dma_wait3A_227] : memref<512x64xf32, #tpu.memory_space<vmem_shared>> -> memref<512x64xf32, #tpu.memory_space<vmem_shared>>
    tpu.wait_indirect_dma semaphore(%arg12 : memref<!tpu.dma_semaphore, #tpu.memory_space<semaphore_mem>>) src(%dma_wait3A_222 : memref<128x64xf32, #tpu.memory_space<vmem>>) dst(%dma_wait3A_228 : memref<512x64xf32, #tpu.memory_space<vmem_shared>>)
    %barrier3A_229 = arith.constant 0 : index
    tpu.barrier barrier_id(%barrier3A_229)
    %mul3A_230 = arith.constant 32 : i32
    %mul3A_231 = arith.muli %arg1, %mul3A_230 : i32
    %mul3A_232 = arith.constant 32 : i32
    %mul3A_233 = arith.muli %arg1, %mul3A_232 : i32
    "tpu.region"() ({
      %run_scoped3A = tpu.sem_alloc : memref<!tpu.dma_semaphore, #tpu.memory_space<semaphore_mem>>
      %dma_start3A_234 = arith.constant 0 : i32
      %dma_start3A_235 = tpu.memref_slice %arg5[%arg0, %mul3A_233, %dma_start3A_234] : memref<2x512x64xf32, #tpu.memory_space<hbm>> -> memref<1x32x64xf32, #tpu.memory_space<hbm>>
      %dma_start3A_236 = tpu.memref_squeeze %dma_start3A_235 : memref<1x32x64xf32, #tpu.memory_space<hbm>> -> memref<32x64xf32, #tpu.memory_space<hbm>>
      %dma_start3A_237 = arith.constant 0 : i32
      %dma_start3A_238 = tpu.memref_slice %arg8[%mul3A_231, %dma_start3A_237] : memref<512x64xf32, #tpu.memory_space<vmem_shared>> -> memref<32x64xf32, #tpu.memory_space<vmem_shared>>
      tpu.enqueue_dma source(%dma_start3A_238 : memref<32x64xf32, #tpu.memory_space<vmem_shared>>) target(%dma_start3A_236 : memref<32x64xf32, #tpu.memory_space<hbm>>) target_semaphore(%run_scoped3A : memref<!tpu.dma_semaphore, #tpu.memory_space<semaphore_mem>>)
      %dma_wait3A_239 = arith.constant 0 : i32
      %dma_wait3A_240 = tpu.memref_slice %arg5[%arg0, %mul3A_233, %dma_wait3A_239] : memref<2x512x64xf32, #tpu.memory_space<hbm>> -> memref<1x32x64xf32, #tpu.memory_space<hbm>>
      %dma_wait3A_241 = tpu.memref_squeeze %dma_wait3A_240 : memref<1x32x64xf32, #tpu.memory_space<hbm>> -> memref<32x64xf32, #tpu.memory_space<hbm>>
      %dma_wait3A_242 = arith.constant 0 : i32
      %dma_wait3A_243 = tpu.memref_slice %arg8[%mul3A_231, %dma_wait3A_242] : memref<512x64xf32, #tpu.memory_space<vmem_shared>> -> memref<32x64xf32, #tpu.memory_space<vmem_shared>>
      tpu.wait_dma2 semaphore(%run_scoped3A : memref<!tpu.dma_semaphore, #tpu.memory_space<semaphore_mem>>) src(%dma_wait3A_243 : memref<32x64xf32, #tpu.memory_space<vmem_shared>>) dst(%dma_wait3A_241 : memref<32x64xf32, #tpu.memory_space<hbm>>)
      tpu.yield
    }) : () -> ()
    return
  }
}

module attributes {stable_mosaic.version = 14 : i64} {
  func.func @body(%arg0: memref<2x512x144xf32, #tpu.memory_space<vmem>>, %arg1: memref<128x128xf32, #tpu.memory_space<vmem>>, %arg2: memref<1x128xf32, #tpu.memory_space<vmem>>, %arg3: memref<128x64xf32, #tpu.memory_space<vmem>>, %arg4: memref<512x64xf32, #tpu.memory_space<vmem>>, %arg5: memref<512x1xf32, #tpu.memory_space<vmem>>) attributes {dimension_semantics = [], scalar_prefetch = 0 : i64, scratch_operands = 0 : i64, tpu.core_type = #tpu.core_type<tc>} {
    %get3A = arith.constant 0 : index
    %get3A_0 = arith.constant 0 : index
    %get3A_1 = arith.constant 0 : index
    %get3A_2 = vector.load %arg0[%get3A, %get3A_0, %get3A_1] : memref<2x512x144xf32, #tpu.memory_space<vmem>>, vector<1x512x144xf32>
    %get3A_3 = vector.shape_cast %get3A_2 : vector<1x512x144xf32> to vector<512x144xf32>
    %get3A_4 = arith.constant 1 : index
    %get3A_5 = arith.constant 0 : index
    %get3A_6 = arith.constant 0 : index
    %get3A_7 = vector.load %arg0[%get3A_4, %get3A_5, %get3A_6] : memref<2x512x144xf32, #tpu.memory_space<vmem>>, vector<1x512x144xf32>
    %get3A_8 = vector.shape_cast %get3A_7 : vector<1x512x144xf32> to vector<512x144xf32>
    %add3A = arith.addf %get3A_3, %get3A_8 : vector<512x144xf32>
    %slice3A = vector.extract_strided_slice %add3A {offsets = [0, 128], sizes = [512, 1], strides = [1, 1]} : vector<512x144xf32> to vector<512x1xf32>
    %max3A = arith.constant 1.000000e+00 : f32
    %max3A_9 = vector.broadcast %max3A : f32 to vector<512x1xf32>
    %max3A_10 = arith.maximumf %slice3A, %max3A_9 : vector<512x1xf32>
    %div3A = arith.constant 1.000000e+00 : f32
    %div3A_11 = vector.broadcast %div3A : f32 to vector<512x1xf32>
    %div3A_12 = arith.divf %div3A_11, %max3A_10 : vector<512x1xf32>
    %slice3A_13 = vector.extract_strided_slice %add3A {offsets = [0, 0], sizes = [512, 128], strides = [1, 1]} : vector<512x144xf32> to vector<512x128xf32>
    %mul3A = vector.broadcast %div3A_12 : vector<512x1xf32> to vector<512x128xf32>
    %mul3A_14 = arith.mulf %slice3A_13, %mul3A : vector<512x128xf32>
    %get3A_15 = arith.constant 0 : index
    %get3A_16 = arith.constant 0 : index
    %get3A_17 = vector.load %arg1[%get3A_15, %get3A_16] : memref<128x128xf32, #tpu.memory_space<vmem>>, vector<128x128xf32>
    %dot_general3A = arith.constant dense<0.000000e+00> : vector<512x128xf32>
    %dot_general3A_18 = tpu.matmul %mul3A_14, %get3A_17, %dot_general3A {dimension_numbers = #tpu.dot_dimension_numbers<[1], [0], [0], [1], [0, 0, 1, 1], [], []>, transpose_lhs_hint = false} : vector<512x128xf32>, vector<128x128xf32>, vector<512x128xf32> -> vector<512x128xf32>
    %get3A_19 = arith.constant 0 : index
    %get3A_20 = arith.constant 0 : index
    %get3A_21 = vector.load %arg2[%get3A_19, %get3A_20] : memref<1x128xf32, #tpu.memory_space<vmem>>, vector<1x128xf32>
    %add3A_22 = vector.broadcast %get3A_21 : vector<1x128xf32> to vector<512x128xf32>
    %add3A_23 = arith.addf %dot_general3A_18, %add3A_22 : vector<512x128xf32>
    %max3A_24 = arith.constant 0.000000e+00 : f32
    %max3A_25 = vector.broadcast %max3A_24 : f32 to vector<512x128xf32>
    %max3A_26 = arith.maximumf %add3A_23, %max3A_25 : vector<512x128xf32>
    %get3A_27 = arith.constant 0 : index
    %get3A_28 = arith.constant 0 : index
    %get3A_29 = vector.load %arg3[%get3A_27, %get3A_28] : memref<128x64xf32, #tpu.memory_space<vmem>>, vector<128x64xf32>
    %dot_general3A_30 = arith.constant dense<0.000000e+00> : vector<512x64xf32>
    %dot_general3A_31 = tpu.matmul %max3A_26, %get3A_29, %dot_general3A_30 {dimension_numbers = #tpu.dot_dimension_numbers<[1], [0], [0], [1], [0, 0, 1, 1], [], []>, transpose_lhs_hint = false} : vector<512x128xf32>, vector<128x64xf32>, vector<512x64xf32> -> vector<512x64xf32>
    %swap3A = arith.constant 0 : index
    %swap3A_32 = arith.constant 0 : index
    %swap3A_33 = vector.load %arg4[%swap3A, %swap3A_32] : memref<512x64xf32, #tpu.memory_space<vmem>>, vector<512x64xf32>
    tpu.vector_store %arg4[%swap3A, %swap3A_32], %dot_general3A_31 {strides = array<i32>} : memref<512x64xf32, #tpu.memory_space<vmem>>, vector<512x64xf32>,
    %swap3A_34 = arith.constant 0 : index
    %swap3A_35 = arith.constant 0 : index
    %swap3A_36 = vector.load %arg5[%swap3A_34, %swap3A_35] : memref<512x1xf32, #tpu.memory_space<vmem>>, vector<512x1xf32>
    tpu.vector_store %arg5[%swap3A_34, %swap3A_35], %div3A_12 {strides = array<i32>} : memref<512x1xf32, #tpu.memory_space<vmem>>, vector<512x1xf32>,
    return
  }
}

module attributes {stable_mosaic.version = 14 : i64} {
  func.func @body(%arg0: i32, %arg1: memref<2x512x64xf32, #tpu.memory_space<vmem>>, %arg2: memref<512x1xf32, #tpu.memory_space<vmem>>, %arg3: memref<1x64xf32, #tpu.memory_space<vmem>>, %arg4: memref<128x32xf32, #tpu.memory_space<vmem>>, %arg5: memref<1x32xf32, #tpu.memory_space<vmem>>, %arg6: memref<32x32xf32, #tpu.memory_space<vmem>>, %arg7: memref<1x32xf32, #tpu.memory_space<vmem>>, %arg8: memref<32x1xf32, #tpu.memory_space<vmem>>, %arg9: memref<1x1xf32, #tpu.memory_space<vmem>>, %arg10: memref<512x512xf32, #tpu.memory_space<vmem>>, %arg11: memref<128x128xbf16, #tpu.memory_space<vmem>>, %arg12: memref<512x128xbf16, #tpu.memory_space<vmem>>, %arg13: memref<128x128xbf16, #tpu.memory_space<vmem>>, %arg14: memref<128x4xbf16, #tpu.memory_space<vmem>>) attributes {dimension_semantics = [#tpu.dimension_semantics<arbitrary>], iteration_bounds = array<i64: 2>, scalar_prefetch = 0 : i64, scratch_operands = 4 : i64, tpu.core_type = #tpu.core_type<tc>, window_params = [{pipeline_mode = #tpu.pipeline_mode<synchronous>, transform_indices = @transform_0, window_bounds = array<i64: 2, 512, 64>}, {pipeline_mode = #tpu.pipeline_mode<synchronous>, transform_indices = @transform_1, window_bounds = array<i64: 512, 1>}, {pipeline_mode = #tpu.pipeline_mode<synchronous>, transform_indices = @transform_2, window_bounds = array<i64: 1, 64>}, {pipeline_mode = #tpu.pipeline_mode<synchronous>, transform_indices = @transform_3, window_bounds = array<i64: 128, 32>}, {pipeline_mode = #tpu.pipeline_mode<synchronous>, transform_indices = @transform_4, window_bounds = array<i64: 1, 32>}, {pipeline_mode = #tpu.pipeline_mode<synchronous>, transform_indices = @transform_5, window_bounds = array<i64: 32, 32>}, {pipeline_mode = #tpu.pipeline_mode<synchronous>, transform_indices = @transform_6, window_bounds = array<i64: 1, 32>}, {pipeline_mode = #tpu.pipeline_mode<synchronous>, transform_indices = @transform_7, window_bounds = array<i64: 32, 1>}, {pipeline_mode = #tpu.pipeline_mode<synchronous>, transform_indices = @transform_8, window_bounds = array<i64: 1, 1>}, {pipeline_mode = #tpu.pipeline_mode<synchronous>, transform_indices = @transform_9, window_bounds = array<i64: 512, 512>}]} {
    %eq3A = arith.constant 0 : i32
    %eq3A_0 = arith.cmpi eq, %arg0, %eq3A : i32
    %convert_element_type3A = arith.extui %eq3A_0 : i1 to i32
    %cond3A = arith.constant 0 : i32
    %cond3A_1 = arith.cmpi ne, %convert_element_type3A, %cond3A : i32
    scf.if %cond3A_1 {
      %get3A_76 = arith.constant 0 : index
      %get3A_77 = arith.constant 0 : index
      %get3A_78 = arith.constant 0 : index
      %get3A_79 = vector.load %arg1[%get3A_76, %get3A_77, %get3A_78] : memref<2x512x64xf32, #tpu.memory_space<vmem>>, vector<1x512x64xf32>
      %get3A_80 = vector.shape_cast %get3A_79 : vector<1x512x64xf32> to vector<512x64xf32>
      %get3A_81 = arith.constant 1 : index
      %get3A_82 = arith.constant 0 : index
      %get3A_83 = arith.constant 0 : index
      %get3A_84 = vector.load %arg1[%get3A_81, %get3A_82, %get3A_83] : memref<2x512x64xf32, #tpu.memory_space<vmem>>, vector<1x512x64xf32>
      %get3A_85 = vector.shape_cast %get3A_84 : vector<1x512x64xf32> to vector<512x64xf32>
      %add3A_86 = arith.addf %get3A_80, %get3A_85 : vector<512x64xf32>
      %get3A_87 = arith.constant 0 : index
      %get3A_88 = arith.constant 0 : index
      %get3A_89 = vector.load %arg2[%get3A_87, %get3A_88] : memref<512x1xf32, #tpu.memory_space<vmem>>, vector<512x1xf32>
      %mul3A_90 = vector.broadcast %get3A_89 : vector<512x1xf32> to vector<512x64xf32>
      %mul3A_91 = arith.mulf %add3A_86, %mul3A_90 : vector<512x64xf32>
      %get3A_92 = arith.constant 0 : index
      %get3A_93 = arith.constant 0 : index
      %get3A_94 = vector.load %arg3[%get3A_92, %get3A_93] : memref<1x64xf32, #tpu.memory_space<vmem>>, vector<1x64xf32>
      %add3A_95 = vector.broadcast %get3A_94 : vector<1x64xf32> to vector<512x64xf32>
      %add3A_96 = arith.addf %mul3A_91, %add3A_95 : vector<512x64xf32>
      %max3A_97 = arith.constant 0.000000e+00 : f32
      %max3A_98 = vector.broadcast %max3A_97 : f32 to vector<512x64xf32>
      %max3A_99 = arith.maximumf %add3A_96, %max3A_98 : vector<512x64xf32>
      %get3A_100 = arith.constant 0 : index
      %get3A_101 = arith.constant 0 : index
      %get3A_102 = vector.load %arg4[%get3A_100, %get3A_101] : memref<128x32xf32, #tpu.memory_space<vmem>>, vector<64x32xf32>
      %dot_general3A_103 = arith.constant dense<0.000000e+00> : vector<512x32xf32>
      %dot_general3A_104 = tpu.matmul %max3A_99, %get3A_102, %dot_general3A_103 {dimension_numbers = #tpu.dot_dimension_numbers<[1], [0], [0], [1], [0, 0, 1, 1], [], []>, transpose_lhs_hint = false} : vector<512x64xf32>, vector<64x32xf32>, vector<512x32xf32> -> vector<512x32xf32>
      %get3A_105 = arith.constant 0 : index
      %get3A_106 = arith.constant 0 : index
      %get3A_107 = vector.load %arg5[%get3A_105, %get3A_106] : memref<1x32xf32, #tpu.memory_space<vmem>>, vector<1x32xf32>
      %add3A_108 = vector.broadcast %get3A_107 : vector<1x32xf32> to vector<512x32xf32>
      %add3A_109 = arith.addf %dot_general3A_104, %add3A_108 : vector<512x32xf32>
      %get3A_110 = arith.constant 64 : index
      %get3A_111 = arith.constant 0 : index
      %get3A_112 = vector.load %arg4[%get3A_110, %get3A_111] : memref<128x32xf32, #tpu.memory_space<vmem>>, vector<64x32xf32>
      %dot_general3A_113 = arith.constant dense<0.000000e+00> : vector<512x32xf32>
      %dot_general3A_114 = tpu.matmul %max3A_99, %get3A_112, %dot_general3A_113 {dimension_numbers = #tpu.dot_dimension_numbers<[1], [0], [0], [1], [0, 0, 1, 1], [], []>, transpose_lhs_hint = false} : vector<512x64xf32>, vector<64x32xf32>, vector<512x32xf32> -> vector<512x32xf32>
      %slice3A_115 = vector.extract_strided_slice %add3A_109 {offsets = [0, 0], sizes = [128, 32], strides = [1, 1]} : vector<512x32xf32> to vector<128x32xf32>
      %slice3A_116 = vector.extract_strided_slice %add3A_109 {offsets = [128, 0], sizes = [128, 32], strides = [1, 1]} : vector<512x32xf32> to vector<128x32xf32>
      %slice3A_117 = vector.extract_strided_slice %add3A_109 {offsets = [256, 0], sizes = [128, 32], strides = [1, 1]} : vector<512x32xf32> to vector<128x32xf32>
      %slice3A_118 = vector.extract_strided_slice %add3A_109 {offsets = [384, 0], sizes = [128, 32], strides = [1, 1]} : vector<512x32xf32> to vector<128x32xf32>
      %concatenate3A = tpu.concatenate %slice3A_115, %slice3A_116, %slice3A_117, %slice3A_118 in 1 : vector<128x32xf32>, vector<128x32xf32>, vector<128x32xf32>, vector<128x32xf32> -> vector<128x128xf32>
      %convert_element_type3A_119 = arith.truncf %concatenate3A : vector<128x128xf32> to vector<128x128xbf16>
      %swap3A_120 = arith.constant 0 : index
      %swap3A_121 = arith.constant 0 : index
      %swap3A_122 = vector.load %arg11[%swap3A_120, %swap3A_121] : memref<128x128xbf16, #tpu.memory_space<vmem>>, vector<128x128xbf16>
      tpu.vector_store %arg11[%swap3A_120, %swap3A_121], %convert_element_type3A_119 {strides = array<i32>} : memref<128x128xbf16, #tpu.memory_space<vmem>>, vector<128x128xbf16>,
      %tile3A_123 = tpu.concatenate %dot_general3A_114, %dot_general3A_114, %dot_general3A_114, %dot_general3A_114 in 1 : vector<512x32xf32>, vector<512x32xf32>, vector<512x32xf32>, vector<512x32xf32> -> vector<512x128xf32>
      %convert_element_type3A_124 = arith.truncf %tile3A_123 : vector<512x128xf32> to vector<512x128xbf16>
      %swap3A_125 = arith.constant 0 : index
      %swap3A_126 = arith.constant 0 : index
      %swap3A_127 = vector.load %arg12[%swap3A_125, %swap3A_126] : memref<512x128xbf16, #tpu.memory_space<vmem>>, vector<512x128xbf16>
      tpu.vector_store %arg12[%swap3A_125, %swap3A_126], %convert_element_type3A_124 {strides = array<i32>} : memref<512x128xbf16, #tpu.memory_space<vmem>>, vector<512x128xbf16>,
      %broadcast_in_dim3A_128 = arith.constant 0.000000e+00 : f32
      %broadcast_in_dim3A_129 = vector.broadcast %broadcast_in_dim3A_128 : f32 to vector<32x32xf32>
      %get3A_130 = arith.constant 0 : index
      %get3A_131 = arith.constant 0 : index
      %get3A_132 = vector.load %arg6[%get3A_130, %get3A_131] : memref<32x32xf32, #tpu.memory_space<vmem>>, vector<32x32xf32>
      %concatenate3A_133 = tpu.concatenate %get3A_132, %broadcast_in_dim3A_129, %broadcast_in_dim3A_129, %broadcast_in_dim3A_129 in 1 : vector<32x32xf32>, vector<32x32xf32>, vector<32x32xf32>, vector<32x32xf32> -> vector<32x128xf32>
      %get3A_134 = arith.constant 0 : index
      %get3A_135 = arith.constant 0 : index
      %get3A_136 = vector.load %arg6[%get3A_134, %get3A_135] : memref<32x32xf32, #tpu.memory_space<vmem>>, vector<32x32xf32>
      %concatenate3A_137 = tpu.concatenate %broadcast_in_dim3A_129, %get3A_136, %broadcast_in_dim3A_129, %broadcast_in_dim3A_129 in 1 : vector<32x32xf32>, vector<32x32xf32>, vector<32x32xf32>, vector<32x32xf32> -> vector<32x128xf32>
      %get3A_138 = arith.constant 0 : index
      %get3A_139 = arith.constant 0 : index
      %get3A_140 = vector.load %arg6[%get3A_138, %get3A_139] : memref<32x32xf32, #tpu.memory_space<vmem>>, vector<32x32xf32>
      %concatenate3A_141 = tpu.concatenate %broadcast_in_dim3A_129, %broadcast_in_dim3A_129, %get3A_140, %broadcast_in_dim3A_129 in 1 : vector<32x32xf32>, vector<32x32xf32>, vector<32x32xf32>, vector<32x32xf32> -> vector<32x128xf32>
      %get3A_142 = arith.constant 0 : index
      %get3A_143 = arith.constant 0 : index
      %get3A_144 = vector.load %arg6[%get3A_142, %get3A_143] : memref<32x32xf32, #tpu.memory_space<vmem>>, vector<32x32xf32>
      %concatenate3A_145 = tpu.concatenate %broadcast_in_dim3A_129, %broadcast_in_dim3A_129, %broadcast_in_dim3A_129, %get3A_144 in 1 : vector<32x32xf32>, vector<32x32xf32>, vector<32x32xf32>, vector<32x32xf32> -> vector<32x128xf32>
      %concatenate3A_146 = tpu.concatenate %concatenate3A_133, %concatenate3A_137, %concatenate3A_141, %concatenate3A_145 in 0 : vector<32x128xf32>, vector<32x128xf32>, vector<32x128xf32>, vector<32x128xf32> -> vector<128x128xf32>
      %convert_element_type3A_147 = arith.truncf %concatenate3A_146 : vector<128x128xf32> to vector<128x128xbf16>
      %swap3A_148 = arith.constant 0 : index
      %swap3A_149 = arith.constant 0 : index
      %swap3A_150 = vector.load %arg13[%swap3A_148, %swap3A_149] : memref<128x128xbf16, #tpu.memory_space<vmem>>, vector<128x128xbf16>
      tpu.vector_store %arg13[%swap3A_148, %swap3A_149], %convert_element_type3A_147 {strides = array<i32>} : memref<128x128xbf16, #tpu.memory_space<vmem>>, vector<128x128xbf16>,
      %broadcast_in_dim3A_151 = arith.constant 0.000000e+00 : f32
      %broadcast_in_dim3A_152 = vector.broadcast %broadcast_in_dim3A_151 : f32 to vector<32x1xf32>
      %get3A_153 = arith.constant 0 : index
      %get3A_154 = arith.constant 0 : index
      %get3A_155 = vector.load %arg8[%get3A_153, %get3A_154] : memref<32x1xf32, #tpu.memory_space<vmem>>, vector<32x1xf32>
      %concatenate3A_156 = tpu.concatenate %get3A_155, %broadcast_in_dim3A_152, %broadcast_in_dim3A_152, %broadcast_in_dim3A_152 in 1 : vector<32x1xf32>, vector<32x1xf32>, vector<32x1xf32>, vector<32x1xf32> -> vector<32x4xf32>
      %get3A_157 = arith.constant 0 : index
      %get3A_158 = arith.constant 0 : index
      %get3A_159 = vector.load %arg8[%get3A_157, %get3A_158] : memref<32x1xf32, #tpu.memory_space<vmem>>, vector<32x1xf32>
      %concatenate3A_160 = tpu.concatenate %broadcast_in_dim3A_152, %get3A_159, %broadcast_in_dim3A_152, %broadcast_in_dim3A_152 in 1 : vector<32x1xf32>, vector<32x1xf32>, vector<32x1xf32>, vector<32x1xf32> -> vector<32x4xf32>
      %get3A_161 = arith.constant 0 : index
      %get3A_162 = arith.constant 0 : index
      %get3A_163 = vector.load %arg8[%get3A_161, %get3A_162] : memref<32x1xf32, #tpu.memory_space<vmem>>, vector<32x1xf32>
      %concatenate3A_164 = tpu.concatenate %broadcast_in_dim3A_152, %broadcast_in_dim3A_152, %get3A_163, %broadcast_in_dim3A_152 in 1 : vector<32x1xf32>, vector<32x1xf32>, vector<32x1xf32>, vector<32x1xf32> -> vector<32x4xf32>
      %get3A_165 = arith.constant 0 : index
      %get3A_166 = arith.constant 0 : index
      %get3A_167 = vector.load %arg8[%get3A_165, %get3A_166] : memref<32x1xf32, #tpu.memory_space<vmem>>, vector<32x1xf32>
      %concatenate3A_168 = tpu.concatenate %broadcast_in_dim3A_152, %broadcast_in_dim3A_152, %broadcast_in_dim3A_152, %get3A_167 in 1 : vector<32x1xf32>, vector<32x1xf32>, vector<32x1xf32>, vector<32x1xf32> -> vector<32x4xf32>
      %concatenate3A_169 = tpu.concatenate %concatenate3A_156, %concatenate3A_160, %concatenate3A_164, %concatenate3A_168 in 0 : vector<32x4xf32>, vector<32x4xf32>, vector<32x4xf32>, vector<32x4xf32> -> vector<128x4xf32>
      %convert_element_type3A_170 = arith.truncf %concatenate3A_169 : vector<128x4xf32> to vector<128x4xbf16>
      %swap3A_171 = arith.constant 0 : index
      %swap3A_172 = arith.constant 0 : index
      %swap3A_173 = vector.load %arg14[%swap3A_171, %swap3A_172] : memref<128x4xbf16, #tpu.memory_space<vmem>>, vector<128x4xbf16>
      tpu.vector_store %arg14[%swap3A_171, %swap3A_172], %convert_element_type3A_170 {strides = array<i32>} : memref<128x4xbf16, #tpu.memory_space<vmem>>, vector<128x4xbf16>,
    } else {
    }
    %mul3A = arith.constant 64 : i32
    %mul3A_2 = arith.muli %arg0, %mul3A : i32
    %get3A = arith.index_cast %mul3A_2 : i32 to index
    %get3A_3 = arith.constant 0 : index
    %get3A_4 = vector.load %arg11[%get3A, %get3A_3] : memref<128x128xbf16, #tpu.memory_space<vmem>>, vector<64x128xbf16>
    %broadcast_in_dim3A = vector.shape_cast %get3A_4 : vector<64x128xbf16> to vector<64x1x128xbf16>
    %get3A_5 = arith.constant 0 : index
    %get3A_6 = arith.constant 0 : index
    %get3A_7 = vector.load %arg12[%get3A_5, %get3A_6] : memref<512x128xbf16, #tpu.memory_space<vmem>>, vector<512x128xbf16>
    %broadcast_in_dim3A_8 = vector.shape_cast %get3A_7 : vector<512x128xbf16> to vector<1x512x128xbf16>
    %add3A = vector.broadcast %broadcast_in_dim3A : vector<64x1x128xbf16> to vector<64x512x128xbf16>
    %add3A_9 = vector.broadcast %broadcast_in_dim3A_8 : vector<1x512x128xbf16> to vector<64x512x128xbf16>
    %add3A_10 = arith.addf %add3A, %add3A_9 : vector<64x512x128xbf16>
    %max3A = arith.constant 0.000000e+00 : bf16
    %max3A_11 = vector.broadcast %max3A : bf16 to vector<64x512x128xbf16>
    %max3A_12 = arith.maximumf %add3A_10, %max3A_11 : vector<64x512x128xbf16>
    %reshape3A = vector.shape_cast %max3A_12 : vector<64x512x128xbf16> to vector<32768x128xbf16>
    %get3A_13 = arith.constant 0 : index
    %get3A_14 = arith.constant 0 : index
    %get3A_15 = vector.load %arg13[%get3A_13, %get3A_14] : memref<128x128xbf16, #tpu.memory_space<vmem>>, vector<128x128xbf16>
    %dot_general3A = arith.constant dense<0.000000e+00> : vector<32768x128xf32>
    %dot_general3A_16 = tpu.matmul %reshape3A, %get3A_15, %dot_general3A {dimension_numbers = #tpu.dot_dimension_numbers<[1], [0], [0], [1], [0, 0, 1, 1], [], []>, transpose_lhs_hint = false} : vector<32768x128xbf16>, vector<128x128xbf16>, vector<32768x128xf32> -> vector<32768x128xf32>
    %get3A_17 = arith.constant 0 : index
    %get3A_18 = arith.constant 0 : index
    %get3A_19 = vector.load %arg7[%get3A_17, %get3A_18] : memref<1x32xf32, #tpu.memory_space<vmem>>, vector<1x32xf32>
    %tile3A = tpu.concatenate %get3A_19, %get3A_19, %get3A_19, %get3A_19 in 1 : vector<1x32xf32>, vector<1x32xf32>, vector<1x32xf32>, vector<1x32xf32> -> vector<1x128xf32>
    %add3A_20 = vector.broadcast %tile3A : vector<1x128xf32> to vector<32768x128xf32>
    %add3A_21 = arith.addf %dot_general3A_16, %add3A_20 : vector<32768x128xf32>
    %max3A_22 = arith.constant 0.000000e+00 : f32
    %max3A_23 = vector.broadcast %max3A_22 : f32 to vector<32768x128xf32>
    %max3A_24 = arith.maximumf %add3A_21, %max3A_23 : vector<32768x128xf32>
    %convert_element_type3A_25 = arith.truncf %max3A_24 : vector<32768x128xf32> to vector<32768x128xbf16>
    %get3A_26 = arith.constant 0 : index
    %get3A_27 = arith.constant 0 : index
    %get3A_28 = vector.load %arg14[%get3A_26, %get3A_27] : memref<128x4xbf16, #tpu.memory_space<vmem>>, vector<128x4xbf16>
    %dot_general3A_29 = arith.constant dense<0.000000e+00> : vector<32768x4xf32>
    %dot_general3A_30 = tpu.matmul %convert_element_type3A_25, %get3A_28, %dot_general3A_29 {dimension_numbers = #tpu.dot_dimension_numbers<[1], [0], [0], [1], [0, 0, 1, 1], [], []>, transpose_lhs_hint = false} : vector<32768x128xbf16>, vector<128x4xbf16>, vector<32768x4xf32> -> vector<32768x4xf32>
    %reshape3A_31 = vector.shape_cast %dot_general3A_30 : vector<32768x4xf32> to vector<64x512x4xf32>
    %transpose3A = tpu.transpose %reshape3A_31, [0, 2, 1] : vector<64x512x4xf32> -> vector<64x4x512xf32>
    %get3A_32 = arith.constant 0 : index
    %get3A_33 = arith.constant 0 : index
    %get3A_34 = vector.load %arg9[%get3A_32, %get3A_33] : memref<1x1xf32, #tpu.memory_space<vmem>>, vector<1x1xf32>
    %broadcast_in_dim3A_35 = vector.shape_cast %get3A_34 : vector<1x1xf32> to vector<1x1x1xf32>
    %add3A_36 = vector.broadcast %broadcast_in_dim3A_35 : vector<1x1x1xf32> to vector<64x4x512xf32>
    %add3A_37 = arith.addf %transpose3A, %add3A_36 : vector<64x4x512xf32>
    %logistic3A = arith.negf %add3A_37 : vector<64x4x512xf32>
    %logistic3A_38 = math.exp %logistic3A : vector<64x4x512xf32>
    %logistic3A_39 = arith.constant 1.000000e+00 : f32
    %logistic3A_40 = vector.broadcast %logistic3A_39 : f32 to vector<64x4x512xf32>
    %logistic3A_41 = arith.addf %logistic3A_40, %logistic3A_38 : vector<64x4x512xf32>
    %logistic3A_42 = arith.divf %logistic3A_40, %logistic3A_41 : vector<64x4x512xf32>
    %slice3A = vector.extract_strided_slice %logistic3A_42 {offsets = [0, 0, 0], sizes = [64, 1, 512], strides = [1, 1, 1]} : vector<64x4x512xf32> to vector<64x1x512xf32>
    %squeeze3A = vector.shape_cast %slice3A : vector<64x1x512xf32> to vector<64x512xf32>
    %mul3A_43 = arith.constant 64 : i32
    %mul3A_44 = arith.muli %arg0, %mul3A_43 : i32
    %add3A_45 = arith.constant 0 : i32
    %add3A_46 = arith.addi %add3A_45, %mul3A_44 : i32
    %swap3A = arith.index_cast %add3A_46 : i32 to index
    %swap3A_47 = arith.constant 0 : index
    %swap3A_48 = vector.load %arg10[%swap3A, %swap3A_47] : memref<512x512xf32, #tpu.memory_space<vmem>>, vector<64x512xf32>
    tpu.vector_store %arg10[%swap3A, %swap3A_47], %squeeze3A {strides = array<i32>} : memref<512x512xf32, #tpu.memory_space<vmem>>, vector<64x512xf32>,
    %slice3A_49 = vector.extract_strided_slice %logistic3A_42 {offsets = [0, 1, 0], sizes = [64, 1, 512], strides = [1, 1, 1]} : vector<64x4x512xf32> to vector<64x1x512xf32>
    %squeeze3A_50 = vector.shape_cast %slice3A_49 : vector<64x1x512xf32> to vector<64x512xf32>
    %mul3A_51 = arith.constant 64 : i32
    %mul3A_52 = arith.muli %arg0, %mul3A_51 : i32
    %add3A_53 = arith.constant 128 : i32
    %add3A_54 = arith.addi %add3A_53, %mul3A_52 : i32
    %swap3A_55 = arith.index_cast %add3A_54 : i32 to index
    %swap3A_56 = arith.constant 0 : index
    %swap3A_57 = vector.load %arg10[%swap3A_55, %swap3A_56] : memref<512x512xf32, #tpu.memory_space<vmem>>, vector<64x512xf32>
    tpu.vector_store %arg10[%swap3A_55, %swap3A_56], %squeeze3A_50 {strides = array<i32>} : memref<512x512xf32, #tpu.memory_space<vmem>>, vector<64x512xf32>,
    %slice3A_58 = vector.extract_strided_slice %logistic3A_42 {offsets = [0, 2, 0], sizes = [64, 1, 512], strides = [1, 1, 1]} : vector<64x4x512xf32> to vector<64x1x512xf32>
    %squeeze3A_59 = vector.shape_cast %slice3A_58 : vector<64x1x512xf32> to vector<64x512xf32>
    %mul3A_60 = arith.constant 64 : i32
    %mul3A_61 = arith.muli %arg0, %mul3A_60 : i32
    %add3A_62 = arith.constant 256 : i32
    %add3A_63 = arith.addi %add3A_62, %mul3A_61 : i32
    %swap3A_64 = arith.index_cast %add3A_63 : i32 to index
    %swap3A_65 = arith.constant 0 : index
    %swap3A_66 = vector.load %arg10[%swap3A_64, %swap3A_65] : memref<512x512xf32, #tpu.memory_space<vmem>>, vector<64x512xf32>
    tpu.vector_store %arg10[%swap3A_64, %swap3A_65], %squeeze3A_59 {strides = array<i32>} : memref<512x512xf32, #tpu.memory_space<vmem>>, vector<64x512xf32>,
    %slice3A_67 = vector.extract_strided_slice %logistic3A_42 {offsets = [0, 3, 0], sizes = [64, 1, 512], strides = [1, 1, 1]} : vector<64x4x512xf32> to vector<64x1x512xf32>
    %squeeze3A_68 = vector.shape_cast %slice3A_67 : vector<64x1x512xf32> to vector<64x512xf32>
    %mul3A_69 = arith.constant 64 : i32
    %mul3A_70 = arith.muli %arg0, %mul3A_69 : i32
    %add3A_71 = arith.constant 384 : i32
    %add3A_72 = arith.addi %add3A_71, %mul3A_70 : i32
    %swap3A_73 = arith.index_cast %add3A_72 : i32 to index
    %swap3A_74 = arith.constant 0 : index
    %swap3A_75 = vector.load %arg10[%swap3A_73, %swap3A_74] : memref<512x512xf32, #tpu.memory_space<vmem>>, vector<64x512xf32>
    tpu.vector_store %arg10[%swap3A_73, %swap3A_74], %squeeze3A_68 {strides = array<i32>} : memref<512x512xf32, #tpu.memory_space<vmem>>, vector<64x512xf32>,
    return
  }
  func.func @transform_0(%arg0: i32) -> (i32, i32, i32) {
    %c0_i32 = arith.constant 0 : i32
    %c0_i32_0 = arith.constant 0 : i32
    %c0_i32_1 = arith.constant 0 : i32
    %c0_i32_2 = arith.constant 0 : i32
    return %c0_i32, %c0_i32_0, %c0_i32_1 : i32, i32, i32
  }
  func.func @transform_1(%arg0: i32) -> (i32, i32) {
    %c0_i32 = arith.constant 0 : i32
    %c0_i32_0 = arith.constant 0 : i32
    %c0_i32_1 = arith.constant 0 : i32
    return %c0_i32, %c0_i32_0 : i32, i32
  }
  func.func @transform_2(%arg0: i32) -> (i32, i32) {
    %c0_i32 = arith.constant 0 : i32
    %c0_i32_0 = arith.constant 0 : i32
    %c0_i32_1 = arith.constant 0 : i32
    return %c0_i32, %c0_i32_0 : i32, i32
  }
  func.func @transform_3(%arg0: i32) -> (i32, i32) {
    %c0_i32 = arith.constant 0 : i32
    %c0_i32_0 = arith.constant 0 : i32
    %c0_i32_1 = arith.constant 0 : i32
    return %c0_i32, %c0_i32_0 : i32, i32
  }
  func.func @transform_4(%arg0: i32) -> (i32, i32) {
    %c0_i32 = arith.constant 0 : i32
    %c0_i32_0 = arith.constant 0 : i32
    %c0_i32_1 = arith.constant 0 : i32
    return %c0_i32, %c0_i32_0 : i32, i32
  }
  func.func @transform_5(%arg0: i32) -> (i32, i32) {
    %c0_i32 = arith.constant 0 : i32
    %c0_i32_0 = arith.constant 0 : i32
    %c0_i32_1 = arith.constant 0 : i32
    return %c0_i32, %c0_i32_0 : i32, i32
  }
  func.func @transform_6(%arg0: i32) -> (i32, i32) {
    %c0_i32 = arith.constant 0 : i32
    %c0_i32_0 = arith.constant 0 : i32
    %c0_i32_1 = arith.constant 0 : i32
    return %c0_i32, %c0_i32_0 : i32, i32
  }
  func.func @transform_7(%arg0: i32) -> (i32, i32) {
    %c0_i32 = arith.constant 0 : i32
    %c0_i32_0 = arith.constant 0 : i32
    %c0_i32_1 = arith.constant 0 : i32
    return %c0_i32, %c0_i32_0 : i32, i32
  }
  func.func @transform_8(%arg0: i32) -> (i32, i32) {
    %c0_i32 = arith.constant 0 : i32
    %c0_i32_0 = arith.constant 0 : i32
    %c0_i32_1 = arith.constant 0 : i32
    return %c0_i32, %c0_i32_0 : i32, i32
  }
  func.func @transform_9(%arg0: i32) -> (i32, i32) {
    %c0_i32 = arith.constant 0 : i32
    %c0_i32_0 = arith.constant 0 : i32
    %c0_i32_1 = arith.constant 0 : i32
    return %c0_i32, %c0_i32_0 : i32, i32
  }
}

</mosaic_0001>

<sc_bundles>
// kernel: kernel.6.cloned.1.call-start
scs
__scs_entry_jumppad:
0x0: {  	(pc) =	sbr.rel $0x88, $3  }
0x1: {  	(tag) =	ssettag $0x0;
	lr =	simm.s32 $0x1  }
0x2: {  	[smem:$0x3F95] =	sst lr;
	_ =	strace $0xD0000000  }
0x3: {  	_ = 	snop  }
0x4: {  	_ = 	snop  }
0x5: {  	_ = 	snop  }
0x6: {  	_ = 	snop  }
0x7: {  	_ = 	snop  }
__scs_overlays_trampoline_lowered:
0x8: {  	[smem:$0x3FA4] =	sst s0  }
0x9: {  	[smem:$0x3FA5] =	sst s1  }
0xa: {  	[smem:$0x3FA6] =	sst s2  }
0xb: {  	[smem:$0x3FA7] =	sst s3  }
0xc: {  	[smem:$0x3FA8] =	sst s4  }
0xd: {  	[smem:$0x3FA9] =	sst s5  }
0xe: {  	[smem:$0x3FAA] =	sst s6  }
0xf: {  	[smem:$0x3FAB] =	sst s7  }
0x10: {  	[smem:$0x3FAC] =	sst s8  }
0x11: {  	[smem:$0x3FAD] =	sst s9;
	s0 =	simm.s32 @!p0 $0x0  }
0x12: {  	s1 =	sld [smem:$0x3F93];
	s0 =	simm.s32 @p0 $0x1  }
0x13: {  	[smem:$0x3FAE] =	sst s0;
	s0 =	simm.s32 @!p1 $0x0  }
0x14: {  	s2 =	sld [smem:$0x3F92];
	s0 =	simm.s32 @p1 $0x1  }
0x15: {  	[smem:$0x3FAF] =	sst s0;
	s0 =	simm.s32 @!p2 $0x0  }
0x16: {  	s3 =	sld [smem:$0x3FDB];
	s0 =	simm.s32 @p2 $0x1  }
0x17: {  	s4 =	simm.s32 $0x1BF5;
	[smem:$0x3FB1] =	sst s0  }
0x18: {  	s0 =	sld [smem:$0x3F94];
	_ =	swait.ge [sflag:s4], $0x0  }
0x19: {  	s7 =	sld [smem:$0x3F95]  }
0x1a: {  	s8 =	sadd.s32 $0xFFFFE003, lr  }
0x1b: {  	s9 =	sadd.s32 $0xFFFFFEF7, lr;
	s5 =	simm.s32 $0xFFFFFFFF;
	p2 =	slt.u32 s8, $0xFFFFF086  }
0x1c: {  	p1 =	slt.u32 s9, $0xF7A;
	s5 =	simm.s32 @!p2 $0x0  }
0x1d: {  	s5 =	simm.s32 @p1 $0x1;
	p0 =	seq.s32 s7, s2  }
0x1e: {  	s7 =	smul.u32 @!p0 $0xF7A, s2;
	p2 =	seq.s32 @!p0 s5, $0x0  }
0x1f: {  	s9 =	smul.u32 $0xF7A, s1;
	s8 =	simm.s32 @!p0 $0x1BF5;
	p2 =	por !p2, p0  }
0x20: {  	[sflag:s8] =	ssyncset.s32 @!p0 $0xFFFFF086;
	s6 =	sadd.s32 @!p0 s3, s7;
	s7 =	simm.s32 @!p0 $0x108  }
0x21: {  	s3 =	sadd.s32 s3, s9;
	s6 =	sadd.s32 @!p0 $0x88, s6;
	s7 =	simm.s32 @p2 $0x1082  }
0x22: {  	[simem:s7], [sflag:s8] =	dma.local @!p0 [hbm:s6], $0xF7A  }
0x23: {  	s9 =	sor.u32 $0xD0000000, s2;
	s6 =	simm.s32 $0x108;
	_ =	swait.ge @!p0 [sflag:s8], $0x0  }
0x24: {  	s3 =	sadd.s32 $0x88, s3;
	s6 =	simm.s32 @!p1 $0x1082;
	[sflag:s4] =	ssyncset.s32 $0xFFFFF086  }
0x25: {  	[simem:s6], [sflag:s4] =	dma.local [hbm:s3], $0xF7A  }
0x26: {  	[smem:$0x3F95] =	sst s1;
	(tag) =	ssettag s2;
	_ =	strace s9  }
0x27: {  	s1 =	sld [smem:$0x3FA5]  }
0x28: {  	s2 =	sld [smem:$0x3FA6]  }
0x29: {  	s4 =	sld [smem:$0x3FA8]  }
0x2a: {  	p0 =	seq.s32 s5, $0x0;
	s5 =	sld [smem:$0x3FA9]  }
0x2b: {  	s6 =	sld [smem:$0x3FAA]  }
0x2c: {  	s7 =	sld [smem:$0x3FAB]  }
0x2d: {  	s3 =	simm.s32 $0x108;
	s8 =	sld [smem:$0x3FAC]  }
0x2e: {  	s3 =	simm.s32 @!p0 $0x1082;
	s9 =	sld [smem:$0x3FAD]  }
0x2f: {  	lr =	sadd.s32 s0, s3;
	s0 =	sld [smem:$0x3FA4]  }
0x30: {  	s3 =	sld [smem:$0x3FA7]  }
0x31: {  	[smem:$0x3FB0] =	sst s10  }
0x32: {  	s10 =	sld [smem:$0x3FAE];
	_ =	sdelay $0x3  }
0x33: {  	p0 =	seq.s32 s10, $0x1;
	s10 =	sld [smem:$0x3FB0];
	_ =	sdelay $0x3  }
0x34: {  	[smem:$0x3FB0] =	sst s10  }
0x35: {  	s10 =	sld [smem:$0x3FAF];
	_ =	sdelay $0x3  }
0x36: {  	p1 =	seq.s32 s10, $0x1;
	s10 =	sld [smem:$0x3FB0];
	_ =	sdelay $0x3  }
0x37: {  	[smem:$0x3FB0] =	sst s10  }
0x38: {  	s10 =	sld [smem:$0x3FB1]  }
0x39: {  	_ = 	snop;
	(pc) =	sbr.ind lr, $3  }
0x3a: {  	_ = 	snop  }
0x3b: {  	_ = 	snop  }
0x3c: {  	p2 =	seq.s32 s10, $0x1;
	s10 =	sld [smem:$0x3FB0]  }
0x3d: {  	_ =	shalt  }
0x3e: {  	_ =	shalt  }
0x3f: {  	_ =	shalt  }
0x40: {  	_ =	shalt  }
0x41: {  	_ =	shalt  }
0x42: {  	_ =	shalt  }
0x43: {  	_ =	shalt  }
0x44: {  	_ =	shalt  }
0x45: {  	_ =	shalt  }
0x46: {  	_ =	shalt  }
0x47: {  	_ =	shalt  }
0x48: {  	_ =	shalt  }
0x49: {  	_ =	shalt  }
0x4a: {  	_ =	shalt  }
0x4b: {  	_ =	shalt  }
0x4c: {  	_ =	shalt  }
0x4d: {  	_ =	shalt  }
0x4e: {  	_ =	shalt  }
0x4f: {  	_ =	shalt  }
0x50: {  	_ =	shalt  }
0x51: {  	_ =	shalt  }
0x52: {  	_ =	shalt  }
0x53: {  	_ =	shalt  }
0x54: {  	_ =	shalt  }
0x55: {  	_ =	shalt  }
0x56: {  	_ =	shalt  }
0x57: {  	_ =	shalt  }
0x58: {  	_ =	shalt  }
0x59: {  	_ =	shalt  }
0x5a: {  	_ =	shalt  }
0x5b: {  	_ =	shalt  }
0x5c: {  	_ =	shalt  }
0x5d: {  	_ =	shalt  }
0x5e: {  	_ =	shalt  }
0x5f: {  	_ =	shalt  }
0x60: {  	_ =	shalt  }
0x61: {  	_ =	shalt  }
0x62: {  	_ =	shalt  }
0x63: {  	_ =	shalt  }
0x64: {  	_ =	shalt  }
0x65: {  	_ =	shalt  }
0x66: {  	_ =	shalt  }
0x67: {  	_ =	shalt  }
0x68: {  	_ =	shalt  }
0x69: {  	_ =	shalt  }
0x6a: {  	_ =	shalt  }
0x6b: {  	_ =	shalt  }
0x6c: {  	_ =	shalt  }
0x6d: {  	_ =	shalt  }
0x6e: {  	_ =	shalt  }
0x6f: {  	_ =	shalt  }
0x70: {  	_ =	shalt  }
0x71: {  	_ =	shalt  }
0x72: {  	_ =	shalt  }
0x73: {  	_ =	shalt  }
0x74: {  	_ =	shalt  }
0x75: {  	_ =	shalt  }
0x76: {  	_ =	shalt  }
0x77: {  	_ =	shalt  }
0x78: {  	_ =	shalt  }
0x79: {  	_ =	shalt  }
0x7a: {  	_ =	shalt  }
0x7b: {  	_ =	shalt  }
0x7c: {  	_ =	shalt  }
0x7d: {  	_ =	shalt  }
0x7e: {  	_ =	shalt  }
0x7f: {  	_ =	shalt  }
0x80: {  	_ =	shalt  }
0x81: {  	_ =	shalt  }
0x82: {  	_ =	shalt  }
0x83: {  	_ =	shalt  }
0x84: {  	_ =	shalt  }
0x85: {  	_ =	shalt  }
0x86: {  	_ =	shalt  }
0x87: {  	_ =	shalt  }
.Lfunc_end0:
.L_simem_size_0:
called_computation_lowered:
.L_overlay_start_0:
0x88: {  	s2 =	sld [smem:$0x3FD9]  }
0x89: {  	s3 =	sld [smem:$0x3FFE];
	_ =	sdelay $0x1  }
0x8a: {  	s1 =	srdreg.scid  }
0x8b: {  	s0 =	sand.u32 $0x1, s1  }
0x8c: {  	s17 =	sshll.u32 s0, $0xA;
	s2 =	sadd.s32 s3, s2  }
0x8d: {  	s2 =	sadd.s32 s2, s17  }
0x8e: {  	[smem:$0x3FBC] =	sst s2  }
0x8f: {  	_ = 	snop  }
0x90: {  	s2 =	sld [smem:$0x3FD0];
	(tm) =	ssettm $0x1  }
0x91: {  	s18 =	sld [smem:$0x3FFB];
	_ =	sdelay $0x3  }
0x92: {  	_ =	strace s18  }
0x93: {  	s3 =	sld [smem:$0x3FFC];
	_ =	sdelay $0x3  }
0x94: {  	_ =	strace s3  }
0x95: {  	s3 =	sld [smem:$0x3FFD];
	_ =	sdelay $0x3  }
0x96: {  	_ =	strace s3  }
0x97: {  	_ =	strace $0x8FFFFFFF  }
0x98: {  	s19 =	sld [smem:$0x3FDB];
	_ =	sdelay $0x1  }
0x99: {  	s4 =	simm.s32 $_scs_section_size  }
0x9a: {  	s5 =	simm.s32 $_size__tile_overlayer_lowered;
	s6 =	simm.s32 $_tile_overlayer_lowered  }
0x9b: {  	s22 =	simm.s32 $0x1BFF;
	s21 =	sshll.u32 s6, $0x1;
	s3 =	sadd.s32 s4, s19  }
0x9c: {  	s7 =	simm.s32 $0x0;
	s20 =	sshll.u32 s5, $0x1;
	s5 =	sadd.s32 s21, s3  }
0x9d: {  	[timem:s7], [sflag:s22] =	dma.local [hbm:s5], s20  }
0x9e: {  	_ =	swait.ge [sflag:s22], s20  }
0x9f: {  	s4 =	ssub.s32 $0x0, s20;
	[sflag:s22] =	ssyncset.done $0x0  }
0xa0: {  	[sflag:s22] =	ssyncadd.s32 s4;
	_ =	sdelay $0x1  }
0xa1: {  	s23 =	simm.s32 $0x1B8B  }
0xa2: {  	_ =	swait.ge [sflag:s23], $0x1  }
0xa3: {  	[sflag:s23] =	ssyncset.done $0x0  }
0xa4: {  	s25 =	simm.s32 $0x1B8E;
	s24 =	sld [smem:$0x3FFE];
	[sflag:s23] =	ssyncadd.s32 $0xFFFFFFFF  }
0xa5: {  	s26 =	simm.s32 $execute0_lowered;
	[smem:$0x3FD2] =	sst s25  }
0xa6: {  	s5 =	sshll.u32 s26, $0x1;
	_ =	strace $0x80000046;
	[dreg:$0x1] =	wrdreg $0xFFFFFFFF  }
0xa7: {  	s28 =	simm.s32 $_size_execute0_lowered;
	s3 =	sadd.s32 s3, s5;
	[dreg:$0x0] =	wrdreg $0x0  }
0xa8: {  	s5 =	sshll.u32 s28, $0x1;
	[dreg:$0x2] =	wrdreg s3  }
0xa9: {  	[dreg:$0x3] =	wrdreg s5  }
0xaa: {  	[dreg:$0x4] =	wrdreg $0xC0  }
0xab: {  	_ =	task [dreg:s7], $0x5FFFF  }
0xac: {  	[dreg:$0x1] =	wrdreg $0xFFFFFFFF  }
0xad: {  	[dreg:$0x0] =	wrdreg $0x60  }
0xae: {  	[dreg:$0x2] =	wrdreg s24  }
0xaf: {  	[dreg:$0x3] =	wrdreg s2  }
0xb0: {  	[dreg:$0x4] =	wrdreg $0x92000  }
0xb1: {  	[dreg:$0x5] =	wrdreg $0x9  }
0xb2: {  	_ =	task.clear_ibuf [dreg:s7], $0x6FFFF;
	_ =	strace $0x90000046  }
0xb3: {  	s29 =	simm.s32 $0x9;
	_ =	strace $0x80000048  }
0xb4: {  	_ =	swait.ge [sflag:s29], $0x1  }
0xb5: {  	[sflag:s29] =	ssyncadd.s32 $0xFFFFFFFF  }
0xb6: {  	_ =	strace $0x90000048  }
0xb7: {  	_ =	sfence  }
0xb8: {  	s30 =	sld [smem:$0x0];
	_ =	sdelay $0x2  }
0xb9: {  	s31 =	sshll.u32 s1, $0xD;
	s1 =	sshrl.u32 s1, $0x2  }
0xba: {  	s3 =	sand.u32 $0x4000, s31;
	s1 =	sadd.s32 s1, s30  }
0xbb: {  	s0 =	sor.u32 s3, s0;
	s1 =	sshll.u32 s1, $0x11  }
0xbc: {  	s0 =	sor.u32 s1, s0  }
0xbd: {  	s0 =	sadd.s32 $0x8F2B, s0  }
0xbe: {  	[sflag:s0] =	ssyncadd.remote.s32 $0x1  }
0xbf: {  	_ =	sfence.sel $0xFFFF  }
0xc0: {  	[dreg:$0x0] =	wrdreg $0xFFFFFFFF;
	(pc) =	sbr.abs _section_cstart, $3  }
0xc1: {  	[dreg:$0x1] =	wrdreg $0xFFFFFFFF  }
0xc2: {  	_ =	task.clear_ibuf [dreg:s7], $0x2FFFF;
	_ =	strace $0x9FFFFFFF  }
0xc3: {  	(tm) =	ssettm $0x7FFFFFFF  }
tec
execute0_lowered:
.L_overlay_start_1:
0x0: {  	(tag) =	ssettag $0x1  }
0x1: {  	s15 =	rddreg [dreg:$0x0]  }
0x2: {  	s21 =	rddreg [dreg:$0x1]  }
0x3: {  	s2 =	rddreg [dreg:$0x2]  }
0x4: {  	s0 =	rddreg [dreg:$0x3]  }
0x5: {  	s1 =	stileid.u32;
	s3 =	simm.s32 $0x0;
	s4 =	srdreg.scid  }
0x6: {  	s23 =	smul.u32 $0x1200, s1;
	[smem:$0x7FF] =	sst s3;
	s24 =	sand.u32 $0x1, s4  }
0x7: {  	s22 =	sshll.u32 s1, $0x6;
	s5 =	sshll.u32 s24, $0x5;
	_ =	strace $0x80000047  }
0x8: {  	s30 =	sshrl.u32 s23, $0x3;
	s5 =	sor.u32 s5, s22;
	s7 =	sadd.s32 s23, s2  }
0x9: {  	s4 =	sadd.s32 s30, s15;
	s12 =	sadd.s32 s5, s15;
	s5 =	sor.u32 $0x1C01, s22  }
0xa: {  	s7 =	sshrl.u32 s7, $0x3;
	s4 =	sadd.s32 $0x4800, s4;
	s6 =	sadd.s32 $0x1C00, s12  }
0xb: {  	[spmem:s7], [sflag:s5] =	dma.local [hbm:s4], $0x240  }
0xc: {  	[tilespmem:s3], [sflag:$0x2] =	stream.linear.gather [hbm4b:s6+s3], $0x80, $0x38;
	[tilespmem:$0xA400] =	vst v63  }
0xd: {  	s9 =	simm.s32 $0x80;
	s8 =	sadd.s32 $0x1C10, s12  }
0xe: {  	[tilespmem:s9], [sflag:$0x2] =	stream.linear.gather [hbm4b:s8+s3], $0x80, $0x38;
	[tilespmem:$0xA400] =	vst v63  }
0xf: {  	s11 =	simm.s32 $0x100;
	s10 =	sadd.s32 $0x2000, s12  }
0x10: {  	[tilespmem:s11], [sflag:$0x2] =	stream.linear.gather [hbm4b:s10+s3], $0x80, $0x38;
	[tilespmem:$0xA400] =	vst v63  }
0x11: {  	s13 =	simm.s32 $0x180;
	s14 =	simm.s32 $0x2;
	s12 =	sadd.s32 $0x2010, s12  }
0x12: {  	[tilespmem:s13], [sflag:$0x2] =	stream.linear.gather [hbm4b:s12+s3], $0x80, $0x38;
	[tilespmem:$0xA400] =	vst v63  }
0x13: {  	_ =	swait.ge [sflag:s14], $0x80  }
0x14: {  	[sflag:s14] =	ssyncset.done $0x0  }
0x15: {  	[sflag:s14] =	ssyncadd.s32 $0xFFFFFF80  }
0x16: {  	_ =	swait.ge [sflag:s14], $0x80  }
0x17: {  	[sflag:s14] =	ssyncset.done $0x0  }
0x18: {  	[sflag:s14] =	ssyncadd.s32 $0xFFFFFF80  }
0x19: {  	_ =	swait.ge [sflag:s14], $0x80  }
0x1a: {  	[sflag:s14] =	ssyncset.done $0x0  }
0x1b: {  	[sflag:s14] =	ssyncadd.s32 $0xFFFFFF80  }
0x1c: {  	_ =	swait.ge [sflag:s14], $0x80  }
0x1d: {  	[sflag:s14] =	ssyncset.done $0x0  }
0x1e: {  	s16 =	simm.s32 $0x200;
	s15 =	sadd.s32 $0x2400, s15;
	[sflag:s14] =	ssyncadd.s32 $0xFFFFFF80  }
0x1f: {  	[tilespmem:s16], [sflag:$0x3] =	stream.indirect.gather [hbm4b:s15+s9], $0x90, s3, s9, $0xb8;
	[tilespmem:$0xA400] =	vst v63  }
0x20: {  	s17 =	simm.s32 $0x4A00;
	s18 =	simm.s32 $0x1  }
0x21: {  	[tilespmem:s17], [sflag:$0x3] =	stream.indirect.gather [hbm4b:s15+s9], $0x90, s9, s9, $0xb8;
	[tilespmem:$0xA400] =	vst v63  }
0x22: {  	_ =	swait.ge [sflag:s18], $0x240  }
0x23: {  	[sflag:s18] =	ssyncset.done $0x0  }
0x24: {  	[sflag:s18] =	ssyncadd.s32 $0xFFFFFDC0  }
0x25: {  	s19 =	simm.s32 $0x3;
	[bflag:$0x0] =	sbarrier.arrive $0xFFFF  }
0x26: {  	_ =	swait.ge [sflag:s19], $0x4800  }
0x27: {  	[sflag:s19] =	ssyncset.done $0x0  }
0x28: {  	[sflag:s19] =	ssyncadd.s32 $0xFFFFB800  }
0x29: {  	[spmem:s2] =	stream.indirect.scatter.add.f32 [tilespmem:s16], [sflag:$0x4], $0x90, s11, s9, $0xb8;
	[tilespmem:$0xA400] =	vst v63  }
0x2a: {  	_ =	swait.ge [sflag:s19], $0x4800  }
0x2b: {  	[sflag:s19] =	ssyncset.done $0x0  }
0x2c: {  	s20 =	simm.s32 $0x4;
	[sflag:s19] =	ssyncadd.s32 $0xFFFFB800  }
0x2d: {  	[spmem:s2] =	stream.indirect.scatter.add.f32 [tilespmem:s17], [sflag:$0x4], $0x90, s13, s9, $0xb8;
	[tilespmem:$0xA400] =	vst v63  }
0x2e: {  	s25 =	smul.u32 $0x12000, s24;
	s24 =	ssub.s32 $0x2, s24;
	_ =	swait.ge [sflag:s20], $0x4800  }
0x2f: {  	s31 =	sshrl.u32 s24, $0x1;
	[sflag:s20] =	ssyncset.done $0x0  }
0x30: {  	s24 =	ssub.s32 s24, s31;
	[sflag:s20] =	ssyncadd.s32 $0xFFFFB800  }
0x31: {  	s23 =	sadd.s32 s23, s25;
	s24 =	smax.u32 s24, $0x1;
	_ =	swait.ge [sflag:s20], $0x4800  }
0x32: {  	s23 =	sshrl.u32 s23, $0x3;
	p0 =	sne.s32 s24, $0x1;
	[sflag:s20] =	ssyncset.done $0x0  }
.Ltmp0:
0x33: {  	s21 =	sadd.s32 s21, s23;
	[sflag:s20] =	ssyncadd.s32 $0xFFFFB800;
	(pc) =	sbr.rel @!p0 .LBB2_2-.Ltmp0, $4  }
0x34: {  	s23 =	sor.u32 $0x1C05, s22;
	s22 =	simm.s32 $0x5;
	[bflag:$0x0] =	sbarrier.arrive $0xFFFF  }
0x35: {  	[hbm:s21], [sflag:s23] =	dma.local [spmem:s7], $0x240  }
0x36: {  	_ =	swait.ge [sflag:s22], $0x240  }
0x37: {  	s24 =	sadd.s32 $0xFFFFFFFF, s24;
	[sflag:s22] =	ssyncset.done $0x0  }
.LBB2_1:
0x38: {  	p0 =	sne.s32 s24, $0x1;
	s24 =	sadd.s32 $0xFFFFFFFF, s24;
	[sflag:s22] =	ssyncadd.s32 $0xFFFFFDC0  }
0x39: {  	[spmem:s7], [sflag:s5] =	dma.local [hbm:s4], $0x240  }
0x3a: {  	[tilespmem:s3], [sflag:$0x2] =	stream.linear.gather [hbm4b:s6+s3], $0x80, $0x38;
	[tilespmem:$0xA400] =	vst v63  }
0x3b: {  	_ = 	snop  }
0x3c: {  	[tilespmem:s9], [sflag:$0x2] =	stream.linear.gather [hbm4b:s8+s3], $0x80, $0x38;
	[tilespmem:$0xA400] =	vst v63  }
0x3d: {  	_ = 	snop  }
0x3e: {  	[tilespmem:s11], [sflag:$0x2] =	stream.linear.gather [hbm4b:s10+s3], $0x80, $0x38;
	[tilespmem:$0xA400] =	vst v63  }
0x3f: {  	_ = 	snop  }
0x40: {  	[tilespmem:s13], [sflag:$0x2] =	stream.linear.gather [hbm4b:s12+s3], $0x80, $0x38;
	[tilespmem:$0xA400] =	vst v63  }
0x41: {  	_ =	swait.ge [sflag:s14], $0x80  }
0x42: {  	[sflag:s14] =	ssyncset.done $0x0  }
0x43: {  	[sflag:s14] =	ssyncadd.s32 $0xFFFFFF80  }
0x44: {  	_ =	swait.ge [sflag:s14], $0x80  }
0x45: {  	[sflag:s14] =	ssyncset.done $0x0  }
0x46: {  	[sflag:s14] =	ssyncadd.s32 $0xFFFFFF80  }
0x47: {  	_ =	swait.ge [sflag:s14], $0x80  }
0x48: {  	[sflag:s14] =	ssyncset.done $0x0  }
0x49: {  	[sflag:s14] =	ssyncadd.s32 $0xFFFFFF80  }
0x4a: {  	_ =	swait.ge [sflag:s14], $0x80  }
0x4b: {  	[sflag:s14] =	ssyncset.done $0x0  }
0x4c: {  	[sflag:s14] =	ssyncadd.s32 $0xFFFFFF80  }
0x4d: {  	[tilespmem:s16], [sflag:$0x3] =	stream.indirect.gather [hbm4b:s15+s9], $0x90, s3, s9, $0xb8;
	[tilespmem:$0xA400] =	vst v63  }
0x4e: {  	_ = 	snop  }
0x4f: {  	[tilespmem:s17], [sflag:$0x3] =	stream.indirect.gather [hbm4b:s15+s9], $0x90, s9, s9, $0xb8;
	[tilespmem:$0xA400] =	vst v63  }
0x50: {  	_ =	swait.ge [sflag:s18], $0x240  }
0x51: {  	[sflag:s18] =	ssyncset.done $0x0  }
0x52: {  	[sflag:s18] =	ssyncadd.s32 $0xFFFFFDC0  }
0x53: {  	[bflag:$0x0] =	sbarrier.arrive $0xFFFF  }
0x54: {  	_ =	swait.ge [sflag:s19], $0x4800  }
0x55: {  	[sflag:s19] =	ssyncset.done $0x0  }
0x56: {  	[sflag:s19] =	ssyncadd.s32 $0xFFFFB800  }
0x57: {  	[spmem:s2] =	stream.indirect.scatter.add.f32 [tilespmem:s16], [sflag:$0x4], $0x90, s11, s9, $0xb8;
	[tilespmem:$0xA400] =	vst v63  }
0x58: {  	_ =	swait.ge [sflag:s19], $0x4800  }
0x59: {  	[sflag:s19] =	ssyncset.done $0x0  }
0x5a: {  	[sflag:s19] =	ssyncadd.s32 $0xFFFFB800  }
0x5b: {  	[spmem:s2] =	stream.indirect.scatter.add.f32 [tilespmem:s17], [sflag:$0x4], $0x90, s13, s9, $0xb8;
	[tilespmem:$0xA400] =	vst v63  }
0x5c: {  	_ =	swait.ge [sflag:s20], $0x4800  }
0x5d: {  	[sflag:s20] =	ssyncset.done $0x0  }
0x5e: {  	[sflag:s20] =	ssyncadd.s32 $0xFFFFB800  }
0x5f: {  	_ =	swait.ge [sflag:s20], $0x4800  }
0x60: {  	[sflag:s20] =	ssyncset.done $0x0  }
.Ltmp1:
0x61: {  	[sflag:s20] =	ssyncadd.s32 $0xFFFFB800;
	(pc) =	sbr.rel @p0 .LBB2_1-.Ltmp1, $4  }
0x62: {  	[bflag:$0x0] =	sbarrier.arrive $0xFFFF  }
0x63: {  	[hbm:s21], [sflag:s23] =	dma.local [spmem:s7], $0x240  }
0x64: {  	_ =	swait.ge [sflag:s22], $0x240  }
0x65: {  	[sflag:s22] =	ssyncset.done $0x0  }
.LBB2_2:
0x66: {  	[sflag:s22] =	ssyncadd.s32 $0xFFFFFDC0  }
0x67: {  	_ =	sfence.sel $0x180000  }
0x68: {  	[bflag:$0x0] =	sbarrier.arrive $0xFFFF  }
0x69: {  	p0 =	sne.s32 s1, $0x0;
	_ =	strace $0x90000047  }
0x6a: {  	s0 =	sadd.s32 @!p0 $0x100000, s0;
	[bflag:$0x2] =	sbarrier.arrive $0xFFFF  }
0x6b: {  	[sflag:s0] =	ssyncadd.tile.s32 @!p0 $0x1;
	_ =	shalt  }
.Lfunc_end2:
_tile_overlayer_lowered:
.L_overlay_start_2:
0x6c: {  	(tag) =	ssettag $0x2  }
0x6d: {  	s0 =	rddreg [dreg:$0x0];
	s2 =	stileid.u32  }
0x6e: {  	s1 =	rddreg [dreg:$0x1];
	p0 =	sne.s32 s2, $0x0  }
0x6f: {  	s3 =	rddreg [dreg:$0x2];
	[bflag:$0x3] =	sbarrier.arrive $0xFFFF;
	s2 =	simm.s32 @!p0 $0x1C05  }
0x70: {  	[timem:s3], [sflag:s2] =	dma.local @!p0 [hbm:s0], s1  }
0x71: {  	s0 =	simm.s32 @!p0 $0x5  }
0x72: {  	_ =	swait.ge @!p0 [sflag:s0], s1  }
0x73: {  	s1 =	ssub.s32 @!p0 $0x0, s1;
	[sflag:s0] =	ssyncset.done @!p0 $0x0  }
0x74: {  	[sflag:s0] =	ssyncadd.s32 @!p0 s1  }
0x75: {  	[bflag:$0x3] =	sbarrier.arrive $0xFFFF  }
0x76: {  	_ =	shalt  }

// kernel: kernel.9.cloned.1.call-start
scs
__scs_entry_jumppad:
0x0: {  	(pc) =	sbr.rel $0x88, $3  }
0x1: {  	(tag) =	ssettag $0x0;
	lr =	simm.s32 $0x1  }
0x2: {  	[smem:$0x3F95] =	sst lr;
	_ =	strace $0xD0000000  }
0x3: {  	_ = 	snop  }
0x4: {  	_ = 	snop  }
0x5: {  	_ = 	snop  }
0x6: {  	_ = 	snop  }
0x7: {  	_ = 	snop  }
__scs_overlays_trampoline_lowered:
0x8: {  	[smem:$0x3FA4] =	sst s0  }
0x9: {  	[smem:$0x3FA5] =	sst s1  }
0xa: {  	[smem:$0x3FA6] =	sst s2  }
0xb: {  	[smem:$0x3FA7] =	sst s3  }
0xc: {  	[smem:$0x3FA8] =	sst s4  }
0xd: {  	[smem:$0x3FA9] =	sst s5  }
0xe: {  	[smem:$0x3FAA] =	sst s6  }
0xf: {  	[smem:$0x3FAB] =	sst s7  }
0x10: {  	[smem:$0x3FAC] =	sst s8  }
0x11: {  	[smem:$0x3FAD] =	sst s9;
	s0 =	simm.s32 @!p0 $0x0  }
0x12: {  	s1 =	sld [smem:$0x3F93];
	s0 =	simm.s32 @p0 $0x1  }
0x13: {  	[smem:$0x3FAE] =	sst s0;
	s0 =	simm.s32 @!p1 $0x0  }
0x14: {  	s2 =	sld [smem:$0x3F92];
	s0 =	simm.s32 @p1 $0x1  }
0x15: {  	[smem:$0x3FAF] =	sst s0;
	s0 =	simm.s32 @!p2 $0x0  }
0x16: {  	s3 =	sld [smem:$0x3FDB];
	s0 =	simm.s32 @p2 $0x1  }
0x17: {  	s4 =	simm.s32 $0x1BF5;
	[smem:$0x3FB1] =	sst s0  }
0x18: {  	s0 =	sld [smem:$0x3F94];
	_ =	swait.ge [sflag:s4], $0x0  }
0x19: {  	s7 =	sld [smem:$0x3F95]  }
0x1a: {  	s8 =	sadd.s32 $0xFFFFE003, lr  }
0x1b: {  	s9 =	sadd.s32 $0xFFFFFEF7, lr;
	s5 =	simm.s32 $0xFFFFFFFF;
	p2 =	slt.u32 s8, $0xFFFFF086  }
0x1c: {  	p1 =	slt.u32 s9, $0xF7A;
	s5 =	simm.s32 @!p2 $0x0  }
0x1d: {  	s5 =	simm.s32 @p1 $0x1;
	p0 =	seq.s32 s7, s2  }
0x1e: {  	s7 =	smul.u32 @!p0 $0xF7A, s2;
	p2 =	seq.s32 @!p0 s5, $0x0  }
0x1f: {  	s9 =	smul.u32 $0xF7A, s1;
	s8 =	simm.s32 @!p0 $0x1BF5;
	p2 =	por !p2, p0  }
0x20: {  	[sflag:s8] =	ssyncset.s32 @!p0 $0xFFFFF086;
	s6 =	sadd.s32 @!p0 s3, s7;
	s7 =	simm.s32 @!p0 $0x108  }
0x21: {  	s3 =	sadd.s32 s3, s9;
	s6 =	sadd.s32 @!p0 $0x88, s6;
	s7 =	simm.s32 @p2 $0x1082  }
0x22: {  	[simem:s7], [sflag:s8] =	dma.local @!p0 [hbm:s6], $0xF7A  }
0x23: {  	s9 =	sor.u32 $0xD0000000, s2;
	s6 =	simm.s32 $0x108;
	_ =	swait.ge @!p0 [sflag:s8], $0x0  }
0x24: {  	s3 =	sadd.s32 $0x88, s3;
	s6 =	simm.s32 @!p1 $0x1082;
	[sflag:s4] =	ssyncset.s32 $0xFFFFF086  }
0x25: {  	[simem:s6], [sflag:s4] =	dma.local [hbm:s3], $0xF7A  }
0x26: {  	[smem:$0x3F95] =	sst s1;
	(tag) =	ssettag s2;
	_ =	strace s9  }
0x27: {  	s1 =	sld [smem:$0x3FA5]  }
0x28: {  	s2 =	sld [smem:$0x3FA6]  }
0x29: {  	s4 =	sld [smem:$0x3FA8]  }
0x2a: {  	p0 =	seq.s32 s5, $0x0;
	s5 =	sld [smem:$0x3FA9]  }
0x2b: {  	s6 =	sld [smem:$0x3FAA]  }
0x2c: {  	s7 =	sld [smem:$0x3FAB]  }
0x2d: {  	s3 =	simm.s32 $0x108;
	s8 =	sld [smem:$0x3FAC]  }
0x2e: {  	s3 =	simm.s32 @!p0 $0x1082;
	s9 =	sld [smem:$0x3FAD]  }
0x2f: {  	lr =	sadd.s32 s0, s3;
	s0 =	sld [smem:$0x3FA4]  }
0x30: {  	s3 =	sld [smem:$0x3FA7]  }
0x31: {  	[smem:$0x3FB0] =	sst s10  }
0x32: {  	s10 =	sld [smem:$0x3FAE];
	_ =	sdelay $0x3  }
0x33: {  	p0 =	seq.s32 s10, $0x1;
	s10 =	sld [smem:$0x3FB0];
	_ =	sdelay $0x3  }
0x34: {  	[smem:$0x3FB0] =	sst s10  }
0x35: {  	s10 =	sld [smem:$0x3FAF];
	_ =	sdelay $0x3  }
0x36: {  	p1 =	seq.s32 s10, $0x1;
	s10 =	sld [smem:$0x3FB0];
	_ =	sdelay $0x3  }
0x37: {  	[smem:$0x3FB0] =	sst s10  }
0x38: {  	s10 =	sld [smem:$0x3FB1]  }
0x39: {  	_ = 	snop;
	(pc) =	sbr.ind lr, $3  }
0x3a: {  	_ = 	snop  }
0x3b: {  	_ = 	snop  }
0x3c: {  	p2 =	seq.s32 s10, $0x1;
	s10 =	sld [smem:$0x3FB0]  }
0x3d: {  	_ =	shalt  }
0x3e: {  	_ =	shalt  }
0x3f: {  	_ =	shalt  }
0x40: {  	_ =	shalt  }
0x41: {  	_ =	shalt  }
0x42: {  	_ =	shalt  }
0x43: {  	_ =	shalt  }
0x44: {  	_ =	shalt  }
0x45: {  	_ =	shalt  }
0x46: {  	_ =	shalt  }
0x47: {  	_ =	shalt  }
0x48: {  	_ =	shalt  }
0x49: {  	_ =	shalt  }
0x4a: {  	_ =	shalt  }
0x4b: {  	_ =	shalt  }
0x4c: {  	_ =	shalt  }
0x4d: {  	_ =	shalt  }
0x4e: {  	_ =	shalt  }
0x4f: {  	_ =	shalt  }
0x50: {  	_ =	shalt  }
0x51: {  	_ =	shalt  }
0x52: {  	_ =	shalt  }
0x53: {  	_ =	shalt  }
0x54: {  	_ =	shalt  }
0x55: {  	_ =	shalt  }
0x56: {  	_ =	shalt  }
0x57: {  	_ =	shalt  }
0x58: {  	_ =	shalt  }
0x59: {  	_ =	shalt  }
0x5a: {  	_ =	shalt  }
0x5b: {  	_ =	shalt  }
0x5c: {  	_ =	shalt  }
0x5d: {  	_ =	shalt  }
0x5e: {  	_ =	shalt  }
0x5f: {  	_ =	shalt  }
0x60: {  	_ =	shalt  }
0x61: {  	_ =	shalt  }
0x62: {  	_ =	shalt  }
0x63: {  	_ =	shalt  }
0x64: {  	_ =	shalt  }
0x65: {  	_ =	shalt  }
0x66: {  	_ =	shalt  }
0x67: {  	_ =	shalt  }
0x68: {  	_ =	shalt  }
0x69: {  	_ =	shalt  }
0x6a: {  	_ =	shalt  }
0x6b: {  	_ =	shalt  }
0x6c: {  	_ =	shalt  }
0x6d: {  	_ =	shalt  }
0x6e: {  	_ =	shalt  }
0x6f: {  	_ =	shalt  }
0x70: {  	_ =	shalt  }
0x71: {  	_ =	shalt  }
0x72: {  	_ =	shalt  }
0x73: {  	_ =	shalt  }
0x74: {  	_ =	shalt  }
0x75: {  	_ =	shalt  }
0x76: {  	_ =	shalt  }
0x77: {  	_ =	shalt  }
0x78: {  	_ =	shalt  }
0x79: {  	_ =	shalt  }
0x7a: {  	_ =	shalt  }
0x7b: {  	_ =	shalt  }
0x7c: {  	_ =	shalt  }
0x7d: {  	_ =	shalt  }
0x7e: {  	_ =	shalt  }
0x7f: {  	_ =	shalt  }
0x80: {  	_ =	shalt  }
0x81: {  	_ =	shalt  }
0x82: {  	_ =	shalt  }
0x83: {  	_ =	shalt  }
0x84: {  	_ =	shalt  }
0x85: {  	_ =	shalt  }
0x86: {  	_ =	shalt  }
0x87: {  	_ =	shalt  }
.Lfunc_end0:
.L_simem_size_0:
called_computation.1_lowered:
.L_overlay_start_0:
0x88: {  	s2 =	sld [smem:$0x3FD9]  }
0x89: {  	s3 =	sld [smem:$0x3FFE];
	_ =	sdelay $0x1  }
0x8a: {  	s1 =	srdreg.scid  }
0x8b: {  	s0 =	sand.u32 $0x1, s1  }
0x8c: {  	s17 =	sshll.u32 s0, $0xA;
	s2 =	sadd.s32 s3, s2  }
0x8d: {  	s2 =	sadd.s32 s2, s17  }
0x8e: {  	[smem:$0x3FBC] =	sst s2  }
0x8f: {  	_ = 	snop  }
0x90: {  	s2 =	sld [smem:$0x3FD0];
	(tm) =	ssettm $0x1  }
0x91: {  	s18 =	sld [smem:$0x3FFB];
	_ =	sdelay $0x3  }
0x92: {  	_ =	strace s18  }
0x93: {  	s3 =	sld [smem:$0x3FFC];
	_ =	sdelay $0x3  }
0x94: {  	_ =	strace s3  }
0x95: {  	s3 =	sld [smem:$0x3FFD];
	_ =	sdelay $0x3  }
0x96: {  	_ =	strace s3  }
0x97: {  	_ =	strace $0x8FFFFFFF  }
0x98: {  	s19 =	sld [smem:$0x3FDB];
	_ =	sdelay $0x1  }
0x99: {  	s4 =	simm.s32 $_scs_section_size  }
0x9a: {  	s5 =	simm.s32 $_size__tile_overlayer_lowered;
	s6 =	simm.s32 $_tile_overlayer_lowered  }
0x9b: {  	s22 =	simm.s32 $0x1BFF;
	s21 =	sshll.u32 s6, $0x1;
	s3 =	sadd.s32 s4, s19  }
0x9c: {  	s7 =	simm.s32 $0x0;
	s20 =	sshll.u32 s5, $0x1;
	s5 =	sadd.s32 s21, s3  }
0x9d: {  	[timem:s7], [sflag:s22] =	dma.local [hbm:s5], s20  }
0x9e: {  	_ =	swait.ge [sflag:s22], s20  }
0x9f: {  	s4 =	ssub.s32 $0x0, s20;
	[sflag:s22] =	ssyncset.done $0x0  }
0xa0: {  	[sflag:s22] =	ssyncadd.s32 s4;
	_ =	sdelay $0x1  }
0xa1: {  	s23 =	simm.s32 $0x1B8B  }
0xa2: {  	_ =	swait.ge [sflag:s23], $0x1  }
0xa3: {  	[sflag:s23] =	ssyncset.done $0x0  }
0xa4: {  	s25 =	simm.s32 $0x1B8E;
	s24 =	sld [smem:$0x3FFE];
	[sflag:s23] =	ssyncadd.s32 $0xFFFFFFFF  }
0xa5: {  	s26 =	simm.s32 $execute0_lowered;
	[smem:$0x3FD2] =	sst s25  }
0xa6: {  	s5 =	sshll.u32 s26, $0x1;
	_ =	strace $0x80000049;
	[dreg:$0x1] =	wrdreg $0xFFFFFFFF  }
0xa7: {  	s28 =	simm.s32 $_size_execute0_lowered;
	s3 =	sadd.s32 s3, s5;
	[dreg:$0x0] =	wrdreg $0x0  }
0xa8: {  	s5 =	sshll.u32 s28, $0x1;
	[dreg:$0x2] =	wrdreg s3  }
0xa9: {  	[dreg:$0x3] =	wrdreg s5  }
0xaa: {  	[dreg:$0x4] =	wrdreg $0xC0  }
0xab: {  	_ =	task [dreg:s7], $0x5FFFF  }
0xac: {  	[dreg:$0x1] =	wrdreg $0xFFFFFFFF  }
0xad: {  	[dreg:$0x0] =	wrdreg $0x60  }
0xae: {  	[dreg:$0x2] =	wrdreg s24  }
0xaf: {  	[dreg:$0x3] =	wrdreg s2  }
0xb0: {  	[dreg:$0x4] =	wrdreg $0x42000  }
0xb1: {  	[dreg:$0x5] =	wrdreg $0x9  }
0xb2: {  	_ =	task.clear_ibuf [dreg:s7], $0x6FFFF;
	_ =	strace $0x90000049  }
0xb3: {  	s29 =	simm.s32 $0x9;
	_ =	strace $0x8000004B  }
0xb4: {  	_ =	swait.ge [sflag:s29], $0x1  }
0xb5: {  	[sflag:s29] =	ssyncadd.s32 $0xFFFFFFFF  }
0xb6: {  	_ =	strace $0x9000004B  }
0xb7: {  	_ =	sfence  }
0xb8: {  	s30 =	sld [smem:$0x0];
	_ =	sdelay $0x2  }
0xb9: {  	s31 =	sshll.u32 s1, $0xD;
	s1 =	sshrl.u32 s1, $0x2  }
0xba: {  	s3 =	sand.u32 $0x4000, s31;
	s1 =	sadd.s32 s1, s30  }
0xbb: {  	s0 =	sor.u32 s3, s0;
	s1 =	sshll.u32 s1, $0x11  }
0xbc: {  	s0 =	sor.u32 s1, s0  }
0xbd: {  	s0 =	sadd.s32 $0x8F2B, s0  }
0xbe: {  	[sflag:s0] =	ssyncadd.remote.s32 $0x1  }
0xbf: {  	_ =	sfence.sel $0xFFFF  }
0xc0: {  	[dreg:$0x0] =	wrdreg $0xFFFFFFFF;
	(pc) =	sbr.abs _section_cstart, $3  }
0xc1: {  	[dreg:$0x1] =	wrdreg $0xFFFFFFFF  }
0xc2: {  	_ =	task.clear_ibuf [dreg:s7], $0x2FFFF;
	_ =	strace $0x9FFFFFFF  }
0xc3: {  	(tm) =	ssettm $0x7FFFFFFF  }
tec
execute0_lowered:
.L_overlay_start_1:
0x0: {  	(tag) =	ssettag $0x1  }
0x1: {  	s15 =	rddreg [dreg:$0x0]  }
0x2: {  	s21 =	rddreg [dreg:$0x1]  }
0x3: {  	s1 =	rddreg [dreg:$0x2]  }
0x4: {  	s0 =	rddreg [dreg:$0x3]  }
0x5: {  	s3 =	simm.s32 $0x0;
	s4 =	srdreg.scid;
	s2 =	stileid.u32  }
0x6: {  	[smem:$0x7FF] =	sst s3;
	s23 =	sand.u32 $0x1, s4;
	s30 =	sshll.u32 s2, $0x8  }
0x7: {  	s22 =	sshll.u32 s2, $0x6;
	s24 =	sshll.u32 s2, $0xB;
	s5 =	sshll.u32 s23, $0x5  }
0x8: {  	_ =	strace $0x8000004A;
	s4 =	sadd.s32 s30, s15;
	s5 =	sor.u32 s5, s22  }
0x9: {  	s7 =	sadd.s32 s24, s1;
	s4 =	sadd.s32 $0x3400, s4;
	s12 =	sadd.s32 s5, s15  }
0xa: {  	s7 =	sshrl.u32 s7, $0x3;
	s5 =	sor.u32 $0x1C01, s22;
	s6 =	sadd.s32 $0x1C00, s12  }
0xb: {  	[spmem:s7], [sflag:s5] =	dma.local [hbm:s4], $0x100  }
0xc: {  	[tilespmem:s3], [sflag:$0x2] =	stream.linear.gather [hbm4b:s6+s3], $0x80, $0x38;
	[tilespmem:$0x4A00] =	vst v63  }
0xd: {  	s9 =	simm.s32 $0x80;
	s8 =	sadd.s32 $0x1C10, s12  }
0xe: {  	[tilespmem:s9], [sflag:$0x2] =	stream.linear.gather [hbm4b:s8+s3], $0x80, $0x38;
	[tilespmem:$0x4A00] =	vst v63  }
0xf: {  	s11 =	simm.s32 $0x100;
	s10 =	sadd.s32 $0x2000, s12  }
0x10: {  	[tilespmem:s11], [sflag:$0x2] =	stream.linear.gather [hbm4b:s10+s3], $0x80, $0x38;
	[tilespmem:$0x4A00] =	vst v63  }
0x11: {  	s13 =	simm.s32 $0x180;
	s14 =	simm.s32 $0x2;
	s12 =	sadd.s32 $0x2010, s12  }
0x12: {  	[tilespmem:s13], [sflag:$0x2] =	stream.linear.gather [hbm4b:s12+s3], $0x80, $0x38;
	[tilespmem:$0x4A00] =	vst v63  }
0x13: {  	_ =	swait.ge [sflag:s14], $0x80  }
0x14: {  	[sflag:s14] =	ssyncset.done $0x0  }
0x15: {  	[sflag:s14] =	ssyncadd.s32 $0xFFFFFF80  }
0x16: {  	_ =	swait.ge [sflag:s14], $0x80  }
0x17: {  	[sflag:s14] =	ssyncset.done $0x0  }
0x18: {  	[sflag:s14] =	ssyncadd.s32 $0xFFFFFF80  }
0x19: {  	_ =	swait.ge [sflag:s14], $0x80  }
0x1a: {  	[sflag:s14] =	ssyncset.done $0x0  }
0x1b: {  	[sflag:s14] =	ssyncadd.s32 $0xFFFFFF80  }
0x1c: {  	_ =	swait.ge [sflag:s14], $0x80  }
0x1d: {  	[sflag:s14] =	ssyncset.done $0x0  }
0x1e: {  	s16 =	simm.s32 $0x200;
	s15 =	sadd.s32 $0x2400, s15;
	[sflag:s14] =	ssyncadd.s32 $0xFFFFFF80  }
0x1f: {  	[tilespmem:s16], [sflag:$0x3] =	stream.indirect.gather [hbm4b:s15+s9], $0x40, s3, s9, $0xb8;
	[tilespmem:$0x4A00] =	vst v63  }
0x20: {  	s17 =	simm.s32 $0x2200;
	s18 =	simm.s32 $0x1  }
0x21: {  	[tilespmem:s17], [sflag:$0x3] =	stream.indirect.gather [hbm4b:s15+s9], $0x40, s9, s9, $0xb8;
	[tilespmem:$0x4A00] =	vst v63  }
0x22: {  	_ =	swait.ge [sflag:s18], $0x100  }
0x23: {  	[sflag:s18] =	ssyncset.done $0x0  }
0x24: {  	[sflag:s18] =	ssyncadd.s32 $0xFFFFFF00  }
0x25: {  	s19 =	simm.s32 $0x3;
	[bflag:$0x0] =	sbarrier.arrive $0xFFFF  }
0x26: {  	_ =	swait.ge [sflag:s19], $0x2000  }
0x27: {  	[sflag:s19] =	ssyncset.done $0x0  }
0x28: {  	[sflag:s19] =	ssyncadd.s32 $0xFFFFE000  }
0x29: {  	[spmem:s1] =	stream.indirect.scatter.add.f32 [tilespmem:s16], [sflag:$0x4], $0x40, s11, s9, $0xb8;
	[tilespmem:$0x4A00] =	vst v63  }
0x2a: {  	_ =	swait.ge [sflag:s19], $0x2000  }
0x2b: {  	[sflag:s19] =	ssyncset.done $0x0  }
0x2c: {  	s20 =	simm.s32 $0x4;
	[sflag:s19] =	ssyncadd.s32 $0xFFFFE000  }
0x2d: {  	[spmem:s1] =	stream.indirect.scatter.add.f32 [tilespmem:s17], [sflag:$0x4], $0x40, s13, s9, $0xb8;
	[tilespmem:$0x4A00] =	vst v63  }
0x2e: {  	s25 =	ssub.s32 $0x2, s23;
	_ =	swait.ge [sflag:s20], $0x2000  }
0x2f: {  	s23 =	sshll.u32 s23, $0xF;
	s31 =	sshrl.u32 s25, $0x1;
	[sflag:s20] =	ssyncset.done $0x0  }
0x30: {  	s23 =	sor.u32 s24, s23;
	s24 =	ssub.s32 s25, s31;
	[sflag:s20] =	ssyncadd.s32 $0xFFFFE000  }
0x31: {  	s24 =	smax.u32 s24, $0x1;
	_ =	swait.ge [sflag:s20], $0x2000  }
0x32: {  	s23 =	sshrl.u32 s23, $0x3;
	p0 =	sne.s32 s24, $0x1;
	[sflag:s20] =	ssyncset.done $0x0  }
.Ltmp0:
0x33: {  	s21 =	sadd.s32 s21, s23;
	[sflag:s20] =	ssyncadd.s32 $0xFFFFE000;
	(pc) =	sbr.rel @!p0 .LBB2_2-.Ltmp0, $4  }
0x34: {  	s23 =	sor.u32 $0x1C05, s22;
	s22 =	simm.s32 $0x5;
	[bflag:$0x0] =	sbarrier.arrive $0xFFFF  }
0x35: {  	[hbm:s21], [sflag:s23] =	dma.local [spmem:s7], $0x100  }
0x36: {  	_ =	swait.ge [sflag:s22], $0x100  }
0x37: {  	s24 =	sadd.s32 $0xFFFFFFFF, s24;
	[sflag:s22] =	ssyncset.done $0x0  }
.LBB2_1:
0x38: {  	p0 =	sne.s32 s24, $0x1;
	s24 =	sadd.s32 $0xFFFFFFFF, s24;
	[sflag:s22] =	ssyncadd.s32 $0xFFFFFF00  }
0x39: {  	[spmem:s7], [sflag:s5] =	dma.local [hbm:s4], $0x100  }
0x3a: {  	[tilespmem:s3], [sflag:$0x2] =	stream.linear.gather [hbm4b:s6+s3], $0x80, $0x38;
	[tilespmem:$0x4A00] =	vst v63  }
0x3b: {  	_ = 	snop  }
0x3c: {  	[tilespmem:s9], [sflag:$0x2] =	stream.linear.gather [hbm4b:s8+s3], $0x80, $0x38;
	[tilespmem:$0x4A00] =	vst v63  }
0x3d: {  	_ = 	snop  }
0x3e: {  	[tilespmem:s11], [sflag:$0x2] =	stream.linear.gather [hbm4b:s10+s3], $0x80, $0x38;
	[tilespmem:$0x4A00] =	vst v63  }
0x3f: {  	_ = 	snop  }
0x40: {  	[tilespmem:s13], [sflag:$0x2] =	stream.linear.gather [hbm4b:s12+s3], $0x80, $0x38;
	[tilespmem:$0x4A00] =	vst v63  }
0x41: {  	_ =	swait.ge [sflag:s14], $0x80  }
0x42: {  	[sflag:s14] =	ssyncset.done $0x0  }
0x43: {  	[sflag:s14] =	ssyncadd.s32 $0xFFFFFF80  }
0x44: {  	_ =	swait.ge [sflag:s14], $0x80  }
0x45: {  	[sflag:s14] =	ssyncset.done $0x0  }
0x46: {  	[sflag:s14] =	ssyncadd.s32 $0xFFFFFF80  }
0x47: {  	_ =	swait.ge [sflag:s14], $0x80  }
0x48: {  	[sflag:s14] =	ssyncset.done $0x0  }
0x49: {  	[sflag:s14] =	ssyncadd.s32 $0xFFFFFF80  }
0x4a: {  	_ =	swait.ge [sflag:s14], $0x80  }
0x4b: {  	[sflag:s14] =	ssyncset.done $0x0  }
0x4c: {  	[sflag:s14] =	ssyncadd.s32 $0xFFFFFF80  }
0x4d: {  	[tilespmem:s16], [sflag:$0x3] =	stream.indirect.gather [hbm4b:s15+s9], $0x40, s3, s9, $0xb8;
	[tilespmem:$0x4A00] =	vst v63  }
0x4e: {  	_ = 	snop  }
0x4f: {  	[tilespmem:s17], [sflag:$0x3] =	stream.indirect.gather [hbm4b:s15+s9], $0x40, s9, s9, $0xb8;
	[tilespmem:$0x4A00] =	vst v63  }
0x50: {  	_ =	swait.ge [sflag:s18], $0x100  }
0x51: {  	[sflag:s18] =	ssyncset.done $0x0  }
0x52: {  	[sflag:s18] =	ssyncadd.s32 $0xFFFFFF00  }
0x53: {  	[bflag:$0x0] =	sbarrier.arrive $0xFFFF  }
0x54: {  	_ =	swait.ge [sflag:s19], $0x2000  }
0x55: {  	[sflag:s19] =	ssyncset.done $0x0  }
0x56: {  	[sflag:s19] =	ssyncadd.s32 $0xFFFFE000  }
0x57: {  	[spmem:s1] =	stream.indirect.scatter.add.f32 [tilespmem:s16], [sflag:$0x4], $0x40, s11, s9, $0xb8;
	[tilespmem:$0x4A00] =	vst v63  }
0x58: {  	_ =	swait.ge [sflag:s19], $0x2000  }
0x59: {  	[sflag:s19] =	ssyncset.done $0x0  }
0x5a: {  	[sflag:s19] =	ssyncadd.s32 $0xFFFFE000  }
0x5b: {  	[spmem:s1] =	stream.indirect.scatter.add.f32 [tilespmem:s17], [sflag:$0x4], $0x40, s13, s9, $0xb8;
	[tilespmem:$0x4A00] =	vst v63  }
0x5c: {  	_ =	swait.ge [sflag:s20], $0x2000  }
0x5d: {  	[sflag:s20] =	ssyncset.done $0x0  }
0x5e: {  	[sflag:s20] =	ssyncadd.s32 $0xFFFFE000  }
0x5f: {  	_ =	swait.ge [sflag:s20], $0x2000  }
0x60: {  	[sflag:s20] =	ssyncset.done $0x0  }
.Ltmp1:
0x61: {  	[sflag:s20] =	ssyncadd.s32 $0xFFFFE000;
	(pc) =	sbr.rel @p0 .LBB2_1-.Ltmp1, $4  }
0x62: {  	[bflag:$0x0] =	sbarrier.arrive $0xFFFF  }
0x63: {  	[hbm:s21], [sflag:s23] =	dma.local [spmem:s7], $0x100  }
0x64: {  	_ =	swait.ge [sflag:s22], $0x100  }
0x65: {  	[sflag:s22] =	ssyncset.done $0x0  }
.LBB2_2:
0x66: {  	[sflag:s22] =	ssyncadd.s32 $0xFFFFFF00  }
0x67: {  	_ =	sfence.sel $0x180000  }
0x68: {  	[bflag:$0x0] =	sbarrier.arrive $0xFFFF  }
0x69: {  	p0 =	sne.s32 s2, $0x0;
	_ =	strace $0x9000004A  }
0x6a: {  	s0 =	sadd.s32 @!p0 $0x100000, s0;
	[bflag:$0x2] =	sbarrier.arrive $0xFFFF  }
0x6b: {  	[sflag:s0] =	ssyncadd.tile.s32 @!p0 $0x1;
	_ =	shalt  }
.Lfunc_end2:
_tile_overlayer_lowered:
.L_overlay_start_2:
0x6c: {  	(tag) =	ssettag $0x2  }
0x6d: {  	s0 =	rddreg [dreg:$0x0];
	s2 =	stileid.u32  }
0x6e: {  	s1 =	rddreg [dreg:$0x1];
	p0 =	sne.s32 s2, $0x0  }
0x6f: {  	s3 =	rddreg [dreg:$0x2];
	[bflag:$0x3] =	sbarrier.arrive $0xFFFF;
	s2 =	simm.s32 @!p0 $0x1C05  }
0x70: {  	[timem:s3], [sflag:s2] =	dma.local @!p0 [hbm:s0], s1  }
0x71: {  	s0 =	simm.s32 @!p0 $0x5  }
0x72: {  	_ =	swait.ge @!p0 [sflag:s0], s1  }
0x73: {  	s1 =	ssub.s32 @!p0 $0x0, s1;
	[sflag:s0] =	ssyncset.done @!p0 $0x0  }
0x74: {  	[sflag:s0] =	ssyncadd.s32 @!p0 s1  }
0x75: {  	[bflag:$0x3] =	sbarrier.arrive $0xFFFF  }
0x76: {  	_ =	shalt  }

</sc_bundles>
